<compile_context>
chip_gen: v7x
topology: tpu7x:2x2x1
jax: 0.10.2.dev20260603
libtpu: 0.0.44.dev20260713+nightly
codegen_flags: <defaults>
</compile_context>

<pallas_src>
import functools

import jax
import jax.numpy as jnp
from jax import lax
from jax.experimental import pallas as pl
from jax.experimental.pallas import tpu as pltpu
from jax.experimental.pallas import tpu_sc as plsc

_info = plsc.get_sparse_core_info()
_NC, _NS = _info.num_cores, _info.num_subcores
_NW = _NC * _NS

_K = 16
_NBUF = 6


def _gather_kernel(table_hbm, idx_hbm, out_hbm, idx_v, *rest):
    bufs = rest[:_NBUF]
    gsems = rest[_NBUF:2 * _NBUF]
    osems = rest[2 * _NBUF:3 * _NBUF]

    n_idx = idx_hbm.shape[0]
    b_per_w = n_idx // _NW
    n_chunks = b_per_w // _K
    wid = lax.axis_index("s") * _NC + lax.axis_index("c")
    base = wid * b_per_w

    pltpu.sync_copy(idx_hbm.at[pl.ds(base, b_per_w)], idx_v)

    def start_gather(g, b):
        pltpu.async_copy(table_hbm.at[idx_v.at[pl.ds(g * _K, _K)]],
                         bufs[b], gsems[b])

    def wait_gather(b):
        pltpu.make_async_copy(table_hbm.at[idx_v.at[pl.ds(0, _K)]],
                              bufs[b], gsems[b]).wait()

    def start_out(g, b):
        pltpu.async_copy(bufs[b], out_hbm.at[pl.ds(base + g * _K, _K)],
                         osems[b])

    def wait_out(b):
        pltpu.make_async_copy(bufs[b], out_hbm.at[pl.ds(base, _K)],
                              osems[b]).wait()

    start_gather(0, 0)
    start_gather(1, 1)
    start_gather(2, 2)
    start_gather(3, 3)
    for g in (0, 1):
        wait_gather(g % _NBUF)
        start_out(g, g % _NBUF)
        start_gather(g + 4, (g + 4) % _NBUF)

    def group(go, carry):
        for j in range(_NBUF):
            g = 2 + go * _NBUF + j
            wait_gather((2 + j) % _NBUF)
            start_out(g, (2 + j) % _NBUF)
            wait_out(j % _NBUF)
            start_gather(g + 4, j % _NBUF)
        return carry

    lax.fori_loop(0, (n_chunks - 10) // _NBUF, group, 0, unroll=False)

    for g in range(n_chunks - 8, n_chunks - 4):
        wait_gather(g % _NBUF)
        start_out(g, g % _NBUF)
        wait_out((g - 2) % _NBUF)
        start_gather(g + 4, (g + 4) % _NBUF)
    for g in range(n_chunks - 4, n_chunks):
        wait_gather(g % _NBUF)
        start_out(g, g % _NBUF)
    for g in range(n_chunks - 6, n_chunks):
        wait_out(g % _NBUF)


@functools.partial(jax.jit, static_argnames=())
def kernel(pos, pe_weight):
    batch, seq = pos.shape
    dim = pe_weight.shape[1]
    n_idx = batch * seq
    flat_pos = pos.reshape(n_idx).astype(jnp.int32)
    b_per_w = n_idx // _NW

    mesh = plsc.VectorSubcoreMesh(core_axis_name="c", subcore_axis_name="s")
    run = pl.kernel(
        _gather_kernel,
        out_type=jax.ShapeDtypeStruct((n_idx, dim), jnp.float32),
        mesh=mesh,
        scratch_types=[
            pltpu.VMEM((b_per_w,), jnp.int32),
        ] + [pltpu.VMEM((_K, dim), jnp.float32) for _ in range(_NBUF)]
          + [pltpu.SemaphoreType.DMA for _ in range(2 * _NBUF)],
    )
    out = run(pe_weight, flat_pos)
    return out.reshape(batch, seq, dim)

# --- scband reference (transcript-rebuilt; emitter-appended) ---
"""Pipeline reference for scband-positional-encoding-17678085390527 (READ-ONLY COPY).

The authoritative reference and input builder live on the scoring server;
editing this copy changes nothing except your own understanding.
"""

import jax, jax.numpy as jnp
import numpy as np

DIM = 1024
MAX_SEQ_LEN = 8192
BATCH = 4
SEQ = 8192

def setup_inputs(seed: int = 0) -> dict:
    key = jax.random.key(seed)
    k_pos, k_w = jax.random.split(key)
    pos = jax.random.randint(k_pos, (BATCH, SEQ), 0, MAX_SEQ_LEN, dtype=jnp.int64 if jax.config.jax_enable_x64 else jnp.int32)
    # nn.Embedding default init is N(0,1); note from_pretrained in the torch
    # code is a classmethod whose return value is discarded, so the module
    # actually uses the randomly-initialized embedding table at runtime.
    pe_weight = jax.random.normal(k_w, (MAX_SEQ_LEN, DIM), dtype=jnp.float32)
    return {"pos": pos, "pe_weight": pe_weight}

def reference(pos, pe_weight):
    # embedding lookup: gather rows of the table by position index
    return jnp.take(pe_weight, pos, axis=0)

if __name__ == "__main__":
    import jax
    _d = setup_inputs()
    print(jax.jit(kernel)(*tuple(_d.values())))

</pallas_src>

<mosaic_0001>
#map = affine_map<(d0, d1) -> (0, 0)>
#map1 = affine_map<(d0, d1) -> (0)>
module attributes {stable_mosaic.version = 14 : i64} {
  func.func @_gather_kernel(%arg0: i32, %arg1: i32, %arg2: memref<8192x1024xf32, #tpu.memory_space<hbm>>, %arg3: memref<32768xi32, #tpu.memory_space<hbm>>, %arg4: memref<32768x1024xf32, #tpu.memory_space<hbm>>, %arg5: memref<1024xi32, #tpu.memory_space<vmem>>, %arg6: memref<16x1024xf32, #tpu.memory_space<vmem>>, %arg7: memref<16x1024xf32, #tpu.memory_space<vmem>>, %arg8: memref<16x1024xf32, #tpu.memory_space<vmem>>, %arg9: memref<16x1024xf32, #tpu.memory_space<vmem>>, %arg10: memref<16x1024xf32, #tpu.memory_space<vmem>>, %arg11: memref<16x1024xf32, #tpu.memory_space<vmem>>, %arg12: memref<!tpu.dma_semaphore, #tpu.memory_space<semaphore_mem>>, %arg13: memref<!tpu.dma_semaphore, #tpu.memory_space<semaphore_mem>>, %arg14: memref<!tpu.dma_semaphore, #tpu.memory_space<semaphore_mem>>, %arg15: memref<!tpu.dma_semaphore, #tpu.memory_space<semaphore_mem>>, %arg16: memref<!tpu.dma_semaphore, #tpu.memory_space<semaphore_mem>>, %arg17: memref<!tpu.dma_semaphore, #tpu.memory_space<semaphore_mem>>, %arg18: memref<!tpu.dma_semaphore, #tpu.memory_space<semaphore_mem>>, %arg19: memref<!tpu.dma_semaphore, #tpu.memory_space<semaphore_mem>>, %arg20: memref<!tpu.dma_semaphore, #tpu.memory_space<semaphore_mem>>, %arg21: memref<!tpu.dma_semaphore, #tpu.memory_space<semaphore_mem>>, %arg22: memref<!tpu.dma_semaphore, #tpu.memory_space<semaphore_mem>>, %arg23: memref<!tpu.dma_semaphore, #tpu.memory_space<semaphore_mem>>) attributes {dimension_semantics = [#tpu.dimension_semantics<core_parallel>, #tpu.dimension_semantics<subcore_parallel>], iteration_bounds = array<i64: 2, 16>, scalar_prefetch = 0 : i64, scratch_operands = 19 : i64, tpu.core_type = #tpu.core_type<sc_vector_subcore>, window_params = [{transform_indices = #map}, {transform_indices = #map1}, {transform_indices = #map}]} {
    %mul3A = arith.constant 2 : i32
    %mul3A_0 = arith.muli %arg1, %mul3A : i32
    %add3A = arith.addi %mul3A_0, %arg0 : i32
    %mul3A_1 = arith.constant 1024 : i32
    %mul3A_2 = arith.muli %add3A, %mul3A_1 : i32
    "tpu.region"() ({
      %run_scoped3A = tpu.sem_alloc : memref<!tpu.dma_semaphore, #tpu.memory_space<semaphore_mem>>
      %dma_start3A_206 = tpu.memref_slice %arg3[%mul3A_2] : memref<32768xi32, #tpu.memory_space<hbm>> -> memref<1024xi32, #tpu.memory_space<hbm>>
      %dma_start3A_207 = tpu.memref_slice %arg3[%mul3A_2] : memref<32768xi32, #tpu.memory_space<hbm>> -> memref<1024xi32, #tpu.memory_space<hbm>>
      tpu.enqueue_dma source(%dma_start3A_207 : memref<1024xi32, #tpu.memory_space<hbm>>) target(%arg5 : memref<1024xi32, #tpu.memory_space<vmem>>) target_semaphore(%run_scoped3A : memref<!tpu.dma_semaphore, #tpu.memory_space<semaphore_mem>>)
      %dma_wait3A_208 = tpu.memref_slice %arg3[%mul3A_2] : memref<32768xi32, #tpu.memory_space<hbm>> -> memref<1024xi32, #tpu.memory_space<hbm>>
      %dma_wait3A_209 = tpu.memref_slice %arg3[%mul3A_2] : memref<32768xi32, #tpu.memory_space<hbm>> -> memref<1024xi32, #tpu.memory_space<hbm>>
      tpu.wait_dma2 semaphore(%run_scoped3A : memref<!tpu.dma_semaphore, #tpu.memory_space<semaphore_mem>>) src(%dma_wait3A_209 : memref<1024xi32, #tpu.memory_space<hbm>>) dst(%arg5 : memref<1024xi32, #tpu.memory_space<vmem>>)
      tpu.yield
    }) : () -> ()
    %dma_start3A = arith.constant 0 : i32
    %dma_start3A_3 = tpu.memref_slice %arg5[%dma_start3A] : memref<1024xi32, #tpu.memory_space<vmem>> -> memref<16xi32, #tpu.memory_space<vmem>>
    %dma_start3A_4 = arith.constant 0 : i32
    %dma_start3A_5 = arith.constant 0 : i32
    %dma_start3A_6 = tpu.memref_slice %arg2[%dma_start3A_4, %dma_start3A_5] : memref<8192x1024xf32, #tpu.memory_space<hbm>> -> memref<8192x1024xf32, #tpu.memory_space<hbm>>
    tpu.enqueue_indirect_dma source(%dma_start3A_6 : memref<8192x1024xf32, #tpu.memory_space<hbm>>) target(%arg6 : memref<16x1024xf32, #tpu.memory_space<vmem>>) offsets(%dma_start3A_3 : memref<16xi32, #tpu.memory_space<vmem>>) semaphore(%arg12 : memref<!tpu.dma_semaphore, #tpu.memory_space<semaphore_mem>>)
    %dma_start3A_7 = arith.constant 16 : i32
    %dma_start3A_8 = tpu.memref_slice %arg5[%dma_start3A_7] : memref<1024xi32, #tpu.memory_space<vmem>> -> memref<16xi32, #tpu.memory_space<vmem>>
    %dma_start3A_9 = arith.constant 0 : i32
    %dma_start3A_10 = arith.constant 0 : i32
    %dma_start3A_11 = tpu.memref_slice %arg2[%dma_start3A_9, %dma_start3A_10] : memref<8192x1024xf32, #tpu.memory_space<hbm>> -> memref<8192x1024xf32, #tpu.memory_space<hbm>>
    tpu.enqueue_indirect_dma source(%dma_start3A_11 : memref<8192x1024xf32, #tpu.memory_space<hbm>>) target(%arg7 : memref<16x1024xf32, #tpu.memory_space<vmem>>) offsets(%dma_start3A_8 : memref<16xi32, #tpu.memory_space<vmem>>) semaphore(%arg13 : memref<!tpu.dma_semaphore, #tpu.memory_space<semaphore_mem>>)
    %dma_start3A_12 = arith.constant 32 : i32
    %dma_start3A_13 = tpu.memref_slice %arg5[%dma_start3A_12] : memref<1024xi32, #tpu.memory_space<vmem>> -> memref<16xi32, #tpu.memory_space<vmem>>
    %dma_start3A_14 = arith.constant 0 : i32
    %dma_start3A_15 = arith.constant 0 : i32
    %dma_start3A_16 = tpu.memref_slice %arg2[%dma_start3A_14, %dma_start3A_15] : memref<8192x1024xf32, #tpu.memory_space<hbm>> -> memref<8192x1024xf32, #tpu.memory_space<hbm>>
    tpu.enqueue_indirect_dma source(%dma_start3A_16 : memref<8192x1024xf32, #tpu.memory_space<hbm>>) target(%arg8 : memref<16x1024xf32, #tpu.memory_space<vmem>>) offsets(%dma_start3A_13 : memref<16xi32, #tpu.memory_space<vmem>>) semaphore(%arg14 : memref<!tpu.dma_semaphore, #tpu.memory_space<semaphore_mem>>)
    %dma_start3A_17 = arith.constant 48 : i32
    %dma_start3A_18 = tpu.memref_slice %arg5[%dma_start3A_17] : memref<1024xi32, #tpu.memory_space<vmem>> -> memref<16xi32, #tpu.memory_space<vmem>>
    %dma_start3A_19 = arith.constant 0 : i32
    %dma_start3A_20 = arith.constant 0 : i32
    %dma_start3A_21 = tpu.memref_slice %arg2[%dma_start3A_19, %dma_start3A_20] : memref<8192x1024xf32, #tpu.memory_space<hbm>> -> memref<8192x1024xf32, #tpu.memory_space<hbm>>
    tpu.enqueue_indirect_dma source(%dma_start3A_21 : memref<8192x1024xf32, #tpu.memory_space<hbm>>) target(%arg9 : memref<16x1024xf32, #tpu.memory_space<vmem>>) offsets(%dma_start3A_18 : memref<16xi32, #tpu.memory_space<vmem>>) semaphore(%arg15 : memref<!tpu.dma_semaphore, #tpu.memory_space<semaphore_mem>>)
    %dma_wait3A = arith.constant 0 : i32
    %dma_wait3A_22 = tpu.memref_slice %arg5[%dma_wait3A] : memref<1024xi32, #tpu.memory_space<vmem>> -> memref<16xi32, #tpu.memory_space<vmem>>
    %dma_wait3A_23 = arith.constant 0 : i32
    %dma_wait3A_24 = arith.constant 0 : i32
    %dma_wait3A_25 = tpu.memref_slice %arg2[%dma_wait3A_23, %dma_wait3A_24] : memref<8192x1024xf32, #tpu.memory_space<hbm>> -> memref<8192x1024xf32, #tpu.memory_space<hbm>>
    tpu.wait_indirect_dma semaphore(%arg12 : memref<!tpu.dma_semaphore, #tpu.memory_space<semaphore_mem>>) src(%dma_wait3A_25 : memref<8192x1024xf32, #tpu.memory_space<hbm>>) dst(%arg6 : memref<16x1024xf32, #tpu.memory_space<vmem>>)
    %add3A_26 = arith.constant 0 : i32
    %add3A_27 = arith.addi %mul3A_2, %add3A_26 : i32
    %dma_start3A_28 = arith.constant 0 : i32
    %dma_start3A_29 = tpu.memref_slice %arg4[%add3A_27, %dma_start3A_28] : memref<32768x1024xf32, #tpu.memory_space<hbm>> -> memref<16x1024xf32, #tpu.memory_space<hbm>>
    %dma_start3A_30 = arith.constant 0 : i32
    %dma_start3A_31 = tpu.memref_slice %arg4[%add3A_27, %dma_start3A_30] : memref<32768x1024xf32, #tpu.memory_space<hbm>> -> memref<16x1024xf32, #tpu.memory_space<hbm>>
    tpu.enqueue_dma source(%arg6 : memref<16x1024xf32, #tpu.memory_space<vmem>>) target(%dma_start3A_31 : memref<16x1024xf32, #tpu.memory_space<hbm>>) target_semaphore(%arg18 : memref<!tpu.dma_semaphore, #tpu.memory_space<semaphore_mem>>)
    %dma_start3A_32 = arith.constant 64 : i32
    %dma_start3A_33 = tpu.memref_slice %arg5[%dma_start3A_32] : memref<1024xi32, #tpu.memory_space<vmem>> -> memref<16xi32, #tpu.memory_space<vmem>>
    %dma_start3A_34 = arith.constant 0 : i32
    %dma_start3A_35 = arith.constant 0 : i32
    %dma_start3A_36 = tpu.memref_slice %arg2[%dma_start3A_34, %dma_start3A_35] : memref<8192x1024xf32, #tpu.memory_space<hbm>> -> memref<8192x1024xf32, #tpu.memory_space<hbm>>
    tpu.enqueue_indirect_dma source(%dma_start3A_36 : memref<8192x1024xf32, #tpu.memory_space<hbm>>) target(%arg10 : memref<16x1024xf32, #tpu.memory_space<vmem>>) offsets(%dma_start3A_33 : memref<16xi32, #tpu.memory_space<vmem>>) semaphore(%arg16 : memref<!tpu.dma_semaphore, #tpu.memory_space<semaphore_mem>>)
    %dma_wait3A_37 = arith.constant 0 : i32
    %dma_wait3A_38 = tpu.memref_slice %arg5[%dma_wait3A_37] : memref<1024xi32, #tpu.memory_space<vmem>> -> memref<16xi32, #tpu.memory_space<vmem>>
    %dma_wait3A_39 = arith.constant 0 : i32
    %dma_wait3A_40 = arith.constant 0 : i32
    %dma_wait3A_41 = tpu.memref_slice %arg2[%dma_wait3A_39, %dma_wait3A_40] : memref<8192x1024xf32, #tpu.memory_space<hbm>> -> memref<8192x1024xf32, #tpu.memory_space<hbm>>
    tpu.wait_indirect_dma semaphore(%arg13 : memref<!tpu.dma_semaphore, #tpu.memory_space<semaphore_mem>>) src(%dma_wait3A_41 : memref<8192x1024xf32, #tpu.memory_space<hbm>>) dst(%arg7 : memref<16x1024xf32, #tpu.memory_space<vmem>>)
    %add3A_42 = arith.constant 16 : i32
    %add3A_43 = arith.addi %mul3A_2, %add3A_42 : i32
    %dma_start3A_44 = arith.constant 0 : i32
    %dma_start3A_45 = tpu.memref_slice %arg4[%add3A_43, %dma_start3A_44] : memref<32768x1024xf32, #tpu.memory_space<hbm>> -> memref<16x1024xf32, #tpu.memory_space<hbm>>
    %dma_start3A_46 = arith.constant 0 : i32
    %dma_start3A_47 = tpu.memref_slice %arg4[%add3A_43, %dma_start3A_46] : memref<32768x1024xf32, #tpu.memory_space<hbm>> -> memref<16x1024xf32, #tpu.memory_space<hbm>>
    tpu.enqueue_dma source(%arg7 : memref<16x1024xf32, #tpu.memory_space<vmem>>) target(%dma_start3A_47 : memref<16x1024xf32, #tpu.memory_space<hbm>>) target_semaphore(%arg19 : memref<!tpu.dma_semaphore, #tpu.memory_space<semaphore_mem>>)
    %dma_start3A_48 = arith.constant 80 : i32
    %dma_start3A_49 = tpu.memref_slice %arg5[%dma_start3A_48] : memref<1024xi32, #tpu.memory_space<vmem>> -> memref<16xi32, #tpu.memory_space<vmem>>
    %dma_start3A_50 = arith.constant 0 : i32
    %dma_start3A_51 = arith.constant 0 : i32
    %dma_start3A_52 = tpu.memref_slice %arg2[%dma_start3A_50, %dma_start3A_51] : memref<8192x1024xf32, #tpu.memory_space<hbm>> -> memref<8192x1024xf32, #tpu.memory_space<hbm>>
    tpu.enqueue_indirect_dma source(%dma_start3A_52 : memref<8192x1024xf32, #tpu.memory_space<hbm>>) target(%arg11 : memref<16x1024xf32, #tpu.memory_space<vmem>>) offsets(%dma_start3A_49 : memref<16xi32, #tpu.memory_space<vmem>>) semaphore(%arg17 : memref<!tpu.dma_semaphore, #tpu.memory_space<semaphore_mem>>)
    %scan3A = arith.constant 0 : i32
    %scan3A_53 = arith.constant 0 : i32
    %scan3A_54 = arith.constant 9 : i32
    %scan3A_55 = arith.addi %scan3A_53, %scan3A_54 : i32
    %scan3A_56 = arith.constant 1 : i32
    scf.for %scan3A_206 = %scan3A_53 to %scan3A_55 step %scan3A_56  : i32 {
      %mul3A_207 = arith.constant 6 : i32
      %mul3A_208 = arith.muli %scan3A_206, %mul3A_207 : i32
      %add3A_209 = arith.constant 2 : i32
      %add3A_210 = arith.addi %add3A_209, %mul3A_208 : i32
      %add3A_211 = arith.constant 0 : i32
      %add3A_212 = arith.addi %add3A_210, %add3A_211 : i32
      %dma_wait3A_213 = arith.constant 0 : i32
      %dma_wait3A_214 = tpu.memref_slice %arg5[%dma_wait3A_213] : memref<1024xi32, #tpu.memory_space<vmem>> -> memref<16xi32, #tpu.memory_space<vmem>>
      %dma_wait3A_215 = arith.constant 0 : i32
      %dma_wait3A_216 = arith.constant 0 : i32
      %dma_wait3A_217 = tpu.memref_slice %arg2[%dma_wait3A_215, %dma_wait3A_216] : memref<8192x1024xf32, #tpu.memory_space<hbm>> -> memref<8192x1024xf32, #tpu.memory_space<hbm>>
      tpu.wait_indirect_dma semaphore(%arg14 : memref<!tpu.dma_semaphore, #tpu.memory_space<semaphore_mem>>) src(%dma_wait3A_217 : memref<8192x1024xf32, #tpu.memory_space<hbm>>) dst(%arg8 : memref<16x1024xf32, #tpu.memory_space<vmem>>)
      %mul3A_218 = arith.constant 16 : i32
      %mul3A_219 = arith.muli %add3A_212, %mul3A_218 : i32
      %add3A_220 = arith.addi %mul3A_2, %mul3A_219 : i32
      %dma_start3A_221 = arith.constant 0 : i32
      %dma_start3A_222 = tpu.memref_slice %arg4[%add3A_220, %dma_start3A_221] : memref<32768x1024xf32, #tpu.memory_space<hbm>> -> memref<16x1024xf32, #tpu.memory_space<hbm>>
      %dma_start3A_223 = arith.constant 0 : i32
      %dma_start3A_224 = tpu.memref_slice %arg4[%add3A_220, %dma_start3A_223] : memref<32768x1024xf32, #tpu.memory_space<hbm>> -> memref<16x1024xf32, #tpu.memory_space<hbm>>
      tpu.enqueue_dma source(%arg8 : memref<16x1024xf32, #tpu.memory_space<vmem>>) target(%dma_start3A_224 : memref<16x1024xf32, #tpu.memory_space<hbm>>) target_semaphore(%arg20 : memref<!tpu.dma_semaphore, #tpu.memory_space<semaphore_mem>>)
      %dma_wait3A_225 = arith.constant 0 : i32
      %dma_wait3A_226 = tpu.memref_slice %arg4[%mul3A_2, %dma_wait3A_225] : memref<32768x1024xf32, #tpu.memory_space<hbm>> -> memref<16x1024xf32, #tpu.memory_space<hbm>>
      %dma_wait3A_227 = arith.constant 0 : i32
      %dma_wait3A_228 = tpu.memref_slice %arg4[%mul3A_2, %dma_wait3A_227] : memref<32768x1024xf32, #tpu.memory_space<hbm>> -> memref<16x1024xf32, #tpu.memory_space<hbm>>
      tpu.wait_dma2 semaphore(%arg18 : memref<!tpu.dma_semaphore, #tpu.memory_space<semaphore_mem>>) src(%arg6 : memref<16x1024xf32, #tpu.memory_space<vmem>>) dst(%dma_wait3A_228 : memref<16x1024xf32, #tpu.memory_space<hbm>>)
      %add3A_229 = arith.constant 4 : i32
      %add3A_230 = arith.addi %add3A_212, %add3A_229 : i32
      %mul3A_231 = arith.constant 16 : i32
      %mul3A_232 = arith.muli %add3A_230, %mul3A_231 : i32
      %dma_start3A_233 = tpu.memref_slice %arg5[%mul3A_232] : memref<1024xi32, #tpu.memory_space<vmem>> -> memref<16xi32, #tpu.memory_space<vmem>>
      %dma_start3A_234 = arith.constant 0 : i32
      %dma_start3A_235 = arith.constant 0 : i32
      %dma_start3A_236 = tpu.memref_slice %arg2[%dma_start3A_234, %dma_start3A_235] : memref<8192x1024xf32, #tpu.memory_space<hbm>> -> memref<8192x1024xf32, #tpu.memory_space<hbm>>
      tpu.enqueue_indirect_dma source(%dma_start3A_236 : memref<8192x1024xf32, #tpu.memory_space<hbm>>) target(%arg6 : memref<16x1024xf32, #tpu.memory_space<vmem>>) offsets(%dma_start3A_233 : memref<16xi32, #tpu.memory_space<vmem>>) semaphore(%arg12 : memref<!tpu.dma_semaphore, #tpu.memory_space<semaphore_mem>>)
      %mul3A_237 = arith.constant 6 : i32
      %mul3A_238 = arith.muli %scan3A_206, %mul3A_237 : i32
      %add3A_239 = arith.constant 2 : i32
      %add3A_240 = arith.addi %add3A_239, %mul3A_238 : i32
      %add3A_241 = arith.constant 1 : i32
      %add3A_242 = arith.addi %add3A_240, %add3A_241 : i32
      %dma_wait3A_243 = arith.constant 0 : i32
      %dma_wait3A_244 = tpu.memref_slice %arg5[%dma_wait3A_243] : memref<1024xi32, #tpu.memory_space<vmem>> -> memref<16xi32, #tpu.memory_space<vmem>>
      %dma_wait3A_245 = arith.constant 0 : i32
      %dma_wait3A_246 = arith.constant 0 : i32
      %dma_wait3A_247 = tpu.memref_slice %arg2[%dma_wait3A_245, %dma_wait3A_246] : memref<8192x1024xf32, #tpu.memory_space<hbm>> -> memref<8192x1024xf32, #tpu.memory_space<hbm>>
      tpu.wait_indirect_dma semaphore(%arg15 : memref<!tpu.dma_semaphore, #tpu.memory_space<semaphore_mem>>) src(%dma_wait3A_247 : memref<8192x1024xf32, #tpu.memory_space<hbm>>) dst(%arg9 : memref<16x1024xf32, #tpu.memory_space<vmem>>)
      %mul3A_248 = arith.constant 16 : i32
      %mul3A_249 = arith.muli %add3A_242, %mul3A_248 : i32
      %add3A_250 = arith.addi %mul3A_2, %mul3A_249 : i32
      %dma_start3A_251 = arith.constant 0 : i32
      %dma_start3A_252 = tpu.memref_slice %arg4[%add3A_250, %dma_start3A_251] : memref<32768x1024xf32, #tpu.memory_space<hbm>> -> memref<16x1024xf32, #tpu.memory_space<hbm>>
      %dma_start3A_253 = arith.constant 0 : i32
      %dma_start3A_254 = tpu.memref_slice %arg4[%add3A_250, %dma_start3A_253] : memref<32768x1024xf32, #tpu.memory_space<hbm>> -> memref<16x1024xf32, #tpu.memory_space<hbm>>
      tpu.enqueue_dma source(%arg9 : memref<16x1024xf32, #tpu.memory_space<vmem>>) target(%dma_start3A_254 : memref<16x1024xf32, #tpu.memory_space<hbm>>) target_semaphore(%arg21 : memref<!tpu.dma_semaphore, #tpu.memory_space<semaphore_mem>>)
      %dma_wait3A_255 = arith.constant 0 : i32
      %dma_wait3A_256 = tpu.memref_slice %arg4[%mul3A_2, %dma_wait3A_255] : memref<32768x1024xf32, #tpu.memory_space<hbm>> -> memref<16x1024xf32, #tpu.memory_space<hbm>>
      %dma_wait3A_257 = arith.constant 0 : i32
      %dma_wait3A_258 = tpu.memref_slice %arg4[%mul3A_2, %dma_wait3A_257] : memref<32768x1024xf32, #tpu.memory_space<hbm>> -> memref<16x1024xf32, #tpu.memory_space<hbm>>
      tpu.wait_dma2 semaphore(%arg19 : memref<!tpu.dma_semaphore, #tpu.memory_space<semaphore_mem>>) src(%arg7 : memref<16x1024xf32, #tpu.memory_space<vmem>>) dst(%dma_wait3A_258 : memref<16x1024xf32, #tpu.memory_space<hbm>>)
      %add3A_259 = arith.constant 4 : i32
      %add3A_260 = arith.addi %add3A_242, %add3A_259 : i32
      %mul3A_261 = arith.constant 16 : i32
      %mul3A_262 = arith.muli %add3A_260, %mul3A_261 : i32
      %dma_start3A_263 = tpu.memref_slice %arg5[%mul3A_262] : memref<1024xi32, #tpu.memory_space<vmem>> -> memref<16xi32, #tpu.memory_space<vmem>>
      %dma_start3A_264 = arith.constant 0 : i32
      %dma_start3A_265 = arith.constant 0 : i32
      %dma_start3A_266 = tpu.memref_slice %arg2[%dma_start3A_264, %dma_start3A_265] : memref<8192x1024xf32, #tpu.memory_space<hbm>> -> memref<8192x1024xf32, #tpu.memory_space<hbm>>
      tpu.enqueue_indirect_dma source(%dma_start3A_266 : memref<8192x1024xf32, #tpu.memory_space<hbm>>) target(%arg7 : memref<16x1024xf32, #tpu.memory_space<vmem>>) offsets(%dma_start3A_263 : memref<16xi32, #tpu.memory_space<vmem>>) semaphore(%arg13 : memref<!tpu.dma_semaphore, #tpu.memory_space<semaphore_mem>>)
      %mul3A_267 = arith.constant 6 : i32
      %mul3A_268 = arith.muli %scan3A_206, %mul3A_267 : i32
      %add3A_269 = arith.constant 2 : i32
      %add3A_270 = arith.addi %add3A_269, %mul3A_268 : i32
      %add3A_271 = arith.constant 2 : i32
      %add3A_272 = arith.addi %add3A_270, %add3A_271 : i32
      %dma_wait3A_273 = arith.constant 0 : i32
      %dma_wait3A_274 = tpu.memref_slice %arg5[%dma_wait3A_273] : memref<1024xi32, #tpu.memory_space<vmem>> -> memref<16xi32, #tpu.memory_space<vmem>>
      %dma_wait3A_275 = arith.constant 0 : i32
      %dma_wait3A_276 = arith.constant 0 : i32
      %dma_wait3A_277 = tpu.memref_slice %arg2[%dma_wait3A_275, %dma_wait3A_276] : memref<8192x1024xf32, #tpu.memory_space<hbm>> -> memref<8192x1024xf32, #tpu.memory_space<hbm>>
      tpu.wait_indirect_dma semaphore(%arg16 : memref<!tpu.dma_semaphore, #tpu.memory_space<semaphore_mem>>) src(%dma_wait3A_277 : memref<8192x1024xf32, #tpu.memory_space<hbm>>) dst(%arg10 : memref<16x1024xf32, #tpu.memory_space<vmem>>)
      %mul3A_278 = arith.constant 16 : i32
      %mul3A_279 = arith.muli %add3A_272, %mul3A_278 : i32
      %add3A_280 = arith.addi %mul3A_2, %mul3A_279 : i32
      %dma_start3A_281 = arith.constant 0 : i32
      %dma_start3A_282 = tpu.memref_slice %arg4[%add3A_280, %dma_start3A_281] : memref<32768x1024xf32, #tpu.memory_space<hbm>> -> memref<16x1024xf32, #tpu.memory_space<hbm>>
      %dma_start3A_283 = arith.constant 0 : i32
      %dma_start3A_284 = tpu.memref_slice %arg4[%add3A_280, %dma_start3A_283] : memref<32768x1024xf32, #tpu.memory_space<hbm>> -> memref<16x1024xf32, #tpu.memory_space<hbm>>
      tpu.enqueue_dma source(%arg10 : memref<16x1024xf32, #tpu.memory_space<vmem>>) target(%dma_start3A_284 : memref<16x1024xf32, #tpu.memory_space<hbm>>) target_semaphore(%arg22 : memref<!tpu.dma_semaphore, #tpu.memory_space<semaphore_mem>>)
      %dma_wait3A_285 = arith.constant 0 : i32
      %dma_wait3A_286 = tpu.memref_slice %arg4[%mul3A_2, %dma_wait3A_285] : memref<32768x1024xf32, #tpu.memory_space<hbm>> -> memref<16x1024xf32, #tpu.memory_space<hbm>>
      %dma_wait3A_287 = arith.constant 0 : i32
      %dma_wait3A_288 = tpu.memref_slice %arg4[%mul3A_2, %dma_wait3A_287] : memref<32768x1024xf32, #tpu.memory_space<hbm>> -> memref<16x1024xf32, #tpu.memory_space<hbm>>
      tpu.wait_dma2 semaphore(%arg20 : memref<!tpu.dma_semaphore, #tpu.memory_space<semaphore_mem>>) src(%arg8 : memref<16x1024xf32, #tpu.memory_space<vmem>>) dst(%dma_wait3A_288 : memref<16x1024xf32, #tpu.memory_space<hbm>>)
      %add3A_289 = arith.constant 4 : i32
      %add3A_290 = arith.addi %add3A_272, %add3A_289 : i32
      %mul3A_291 = arith.constant 16 : i32
      %mul3A_292 = arith.muli %add3A_290, %mul3A_291 : i32
      %dma_start3A_293 = tpu.memref_slice %arg5[%mul3A_292] : memref<1024xi32, #tpu.memory_space<vmem>> -> memref<16xi32, #tpu.memory_space<vmem>>
      %dma_start3A_294 = arith.constant 0 : i32
      %dma_start3A_295 = arith.constant 0 : i32
      %dma_start3A_296 = tpu.memref_slice %arg2[%dma_start3A_294, %dma_start3A_295] : memref<8192x1024xf32, #tpu.memory_space<hbm>> -> memref<8192x1024xf32, #tpu.memory_space<hbm>>
      tpu.enqueue_indirect_dma source(%dma_start3A_296 : memref<8192x1024xf32, #tpu.memory_space<hbm>>) target(%arg8 : memref<16x1024xf32, #tpu.memory_space<vmem>>) offsets(%dma_start3A_293 : memref<16xi32, #tpu.memory_space<vmem>>) semaphore(%arg14 : memref<!tpu.dma_semaphore, #tpu.memory_space<semaphore_mem>>)
      %mul3A_297 = arith.constant 6 : i32
      %mul3A_298 = arith.muli %scan3A_206, %mul3A_297 : i32
      %add3A_299 = arith.constant 2 : i32
      %add3A_300 = arith.addi %add3A_299, %mul3A_298 : i32
      %add3A_301 = arith.constant 3 : i32
      %add3A_302 = arith.addi %add3A_300, %add3A_301 : i32
      %dma_wait3A_303 = arith.constant 0 : i32
      %dma_wait3A_304 = tpu.memref_slice %arg5[%dma_wait3A_303] : memref<1024xi32, #tpu.memory_space<vmem>> -> memref<16xi32, #tpu.memory_space<vmem>>
      %dma_wait3A_305 = arith.constant 0 : i32
      %dma_wait3A_306 = arith.constant 0 : i32
      %dma_wait3A_307 = tpu.memref_slice %arg2[%dma_wait3A_305, %dma_wait3A_306] : memref<8192x1024xf32, #tpu.memory_space<hbm>> -> memref<8192x1024xf32, #tpu.memory_space<hbm>>
      tpu.wait_indirect_dma semaphore(%arg17 : memref<!tpu.dma_semaphore, #tpu.memory_space<semaphore_mem>>) src(%dma_wait3A_307 : memref<8192x1024xf32, #tpu.memory_space<hbm>>) dst(%arg11 : memref<16x1024xf32, #tpu.memory_space<vmem>>)
      %mul3A_308 = arith.constant 16 : i32
      %mul3A_309 = arith.muli %add3A_302, %mul3A_308 : i32
      %add3A_310 = arith.addi %mul3A_2, %mul3A_309 : i32
      %dma_start3A_311 = arith.constant 0 : i32
      %dma_start3A_312 = tpu.memref_slice %arg4[%add3A_310, %dma_start3A_311] : memref<32768x1024xf32, #tpu.memory_space<hbm>> -> memref<16x1024xf32, #tpu.memory_space<hbm>>
      %dma_start3A_313 = arith.constant 0 : i32
      %dma_start3A_314 = tpu.memref_slice %arg4[%add3A_310, %dma_start3A_313] : memref<32768x1024xf32, #tpu.memory_space<hbm>> -> memref<16x1024xf32, #tpu.memory_space<hbm>>
      tpu.enqueue_dma source(%arg11 : memref<16x1024xf32, #tpu.memory_space<vmem>>) target(%dma_start3A_314 : memref<16x1024xf32, #tpu.memory_space<hbm>>) target_semaphore(%arg23 : memref<!tpu.dma_semaphore, #tpu.memory_space<semaphore_mem>>)
      %dma_wait3A_315 = arith.constant 0 : i32
      %dma_wait3A_316 = tpu.memref_slice %arg4[%mul3A_2, %dma_wait3A_315] : memref<32768x1024xf32, #tpu.memory_space<hbm>> -> memref<16x1024xf32, #tpu.memory_space<hbm>>
      %dma_wait3A_317 = arith.constant 0 : i32
      %dma_wait3A_318 = tpu.memref_slice %arg4[%mul3A_2, %dma_wait3A_317] : memref<32768x1024xf32, #tpu.memory_space<hbm>> -> memref<16x1024xf32, #tpu.memory_space<hbm>>
      tpu.wait_dma2 semaphore(%arg21 : memref<!tpu.dma_semaphore, #tpu.memory_space<semaphore_mem>>) src(%arg9 : memref<16x1024xf32, #tpu.memory_space<vmem>>) dst(%dma_wait3A_318 : memref<16x1024xf32, #tpu.memory_space<hbm>>)
      %add3A_319 = arith.constant 4 : i32
      %add3A_320 = arith.addi %add3A_302, %add3A_319 : i32
      %mul3A_321 = arith.constant 16 : i32
      %mul3A_322 = arith.muli %add3A_320, %mul3A_321 : i32
      %dma_start3A_323 = tpu.memref_slice %arg5[%mul3A_322] : memref<1024xi32, #tpu.memory_space<vmem>> -> memref<16xi32, #tpu.memory_space<vmem>>
      %dma_start3A_324 = arith.constant 0 : i32
      %dma_start3A_325 = arith.constant 0 : i32
      %dma_start3A_326 = tpu.memref_slice %arg2[%dma_start3A_324, %dma_start3A_325] : memref<8192x1024xf32, #tpu.memory_space<hbm>> -> memref<8192x1024xf32, #tpu.memory_space<hbm>>
      tpu.enqueue_indirect_dma source(%dma_start3A_326 : memref<8192x1024xf32, #tpu.memory_space<hbm>>) target(%arg9 : memref<16x1024xf32, #tpu.memory_space<vmem>>) offsets(%dma_start3A_323 : memref<16xi32, #tpu.memory_space<vmem>>) semaphore(%arg15 : memref<!tpu.dma_semaphore, #tpu.memory_space<semaphore_mem>>)
      %mul3A_327 = arith.constant 6 : i32
      %mul3A_328 = arith.muli %scan3A_206, %mul3A_327 : i32
      %add3A_329 = arith.constant 2 : i32
      %add3A_330 = arith.addi %add3A_329, %mul3A_328 : i32
      %add3A_331 = arith.constant 4 : i32
      %add3A_332 = arith.addi %add3A_330, %add3A_331 : i32
      %dma_wait3A_333 = arith.constant 0 : i32
      %dma_wait3A_334 = tpu.memref_slice %arg5[%dma_wait3A_333] : memref<1024xi32, #tpu.memory_space<vmem>> -> memref<16xi32, #tpu.memory_space<vmem>>
      %dma_wait3A_335 = arith.constant 0 : i32
      %dma_wait3A_336 = arith.constant 0 : i32
      %dma_wait3A_337 = tpu.memref_slice %arg2[%dma_wait3A_335, %dma_wait3A_336] : memref<8192x1024xf32, #tpu.memory_space<hbm>> -> memref<8192x1024xf32, #tpu.memory_space<hbm>>
      tpu.wait_indirect_dma semaphore(%arg12 : memref<!tpu.dma_semaphore, #tpu.memory_space<semaphore_mem>>) src(%dma_wait3A_337 : memref<8192x1024xf32, #tpu.memory_space<hbm>>) dst(%arg6 : memref<16x1024xf32, #tpu.memory_space<vmem>>)
      %mul3A_338 = arith.constant 16 : i32
      %mul3A_339 = arith.muli %add3A_332, %mul3A_338 : i32
      %add3A_340 = arith.addi %mul3A_2, %mul3A_339 : i32
      %dma_start3A_341 = arith.constant 0 : i32
      %dma_start3A_342 = tpu.memref_slice %arg4[%add3A_340, %dma_start3A_341] : memref<32768x1024xf32, #tpu.memory_space<hbm>> -> memref<16x1024xf32, #tpu.memory_space<hbm>>
      %dma_start3A_343 = arith.constant 0 : i32
      %dma_start3A_344 = tpu.memref_slice %arg4[%add3A_340, %dma_start3A_343] : memref<32768x1024xf32, #tpu.memory_space<hbm>> -> memref<16x1024xf32, #tpu.memory_space<hbm>>
      tpu.enqueue_dma source(%arg6 : memref<16x1024xf32, #tpu.memory_space<vmem>>) target(%dma_start3A_344 : memref<16x1024xf32, #tpu.memory_space<hbm>>) target_semaphore(%arg18 : memref<!tpu.dma_semaphore, #tpu.memory_space<semaphore_mem>>)
      %dma_wait3A_345 = arith.constant 0 : i32
      %dma_wait3A_346 = tpu.memref_slice %arg4[%mul3A_2, %dma_wait3A_345] : memref<32768x1024xf32, #tpu.memory_space<hbm>> -> memref<16x1024xf32, #tpu.memory_space<hbm>>
      %dma_wait3A_347 = arith.constant 0 : i32
      %dma_wait3A_348 = tpu.memref_slice %arg4[%mul3A_2, %dma_wait3A_347] : memref<32768x1024xf32, #tpu.memory_space<hbm>> -> memref<16x1024xf32, #tpu.memory_space<hbm>>
      tpu.wait_dma2 semaphore(%arg22 : memref<!tpu.dma_semaphore, #tpu.memory_space<semaphore_mem>>) src(%arg10 : memref<16x1024xf32, #tpu.memory_space<vmem>>) dst(%dma_wait3A_348 : memref<16x1024xf32, #tpu.memory_space<hbm>>)
      %add3A_349 = arith.constant 4 : i32
      %add3A_350 = arith.addi %add3A_332, %add3A_349 : i32
      %mul3A_351 = arith.constant 16 : i32
      %mul3A_352 = arith.muli %add3A_350, %mul3A_351 : i32
      %dma_start3A_353 = tpu.memref_slice %arg5[%mul3A_352] : memref<1024xi32, #tpu.memory_space<vmem>> -> memref<16xi32, #tpu.memory_space<vmem>>
      %dma_start3A_354 = arith.constant 0 : i32
      %dma_start3A_355 = arith.constant 0 : i32
      %dma_start3A_356 = tpu.memref_slice %arg2[%dma_start3A_354, %dma_start3A_355] : memref<8192x1024xf32, #tpu.memory_space<hbm>> -> memref<8192x1024xf32, #tpu.memory_space<hbm>>
      tpu.enqueue_indirect_dma source(%dma_start3A_356 : memref<8192x1024xf32, #tpu.memory_space<hbm>>) target(%arg10 : memref<16x1024xf32, #tpu.memory_space<vmem>>) offsets(%dma_start3A_353 : memref<16xi32, #tpu.memory_space<vmem>>) semaphore(%arg16 : memref<!tpu.dma_semaphore, #tpu.memory_space<semaphore_mem>>)
      %mul3A_357 = arith.constant 6 : i32
      %mul3A_358 = arith.muli %scan3A_206, %mul3A_357 : i32
      %add3A_359 = arith.constant 2 : i32
      %add3A_360 = arith.addi %add3A_359, %mul3A_358 : i32
      %add3A_361 = arith.constant 5 : i32
      %add3A_362 = arith.addi %add3A_360, %add3A_361 : i32
      %dma_wait3A_363 = arith.constant 0 : i32
      %dma_wait3A_364 = tpu.memref_slice %arg5[%dma_wait3A_363] : memref<1024xi32, #tpu.memory_space<vmem>> -> memref<16xi32, #tpu.memory_space<vmem>>
      %dma_wait3A_365 = arith.constant 0 : i32
      %dma_wait3A_366 = arith.constant 0 : i32
      %dma_wait3A_367 = tpu.memref_slice %arg2[%dma_wait3A_365, %dma_wait3A_366] : memref<8192x1024xf32, #tpu.memory_space<hbm>> -> memref<8192x1024xf32, #tpu.memory_space<hbm>>
      tpu.wait_indirect_dma semaphore(%arg13 : memref<!tpu.dma_semaphore, #tpu.memory_space<semaphore_mem>>) src(%dma_wait3A_367 : memref<8192x1024xf32, #tpu.memory_space<hbm>>) dst(%arg7 : memref<16x1024xf32, #tpu.memory_space<vmem>>)
      %mul3A_368 = arith.constant 16 : i32
      %mul3A_369 = arith.muli %add3A_362, %mul3A_368 : i32
      %add3A_370 = arith.addi %mul3A_2, %mul3A_369 : i32
      %dma_start3A_371 = arith.constant 0 : i32
      %dma_start3A_372 = tpu.memref_slice %arg4[%add3A_370, %dma_start3A_371] : memref<32768x1024xf32, #tpu.memory_space<hbm>> -> memref<16x1024xf32, #tpu.memory_space<hbm>>
      %dma_start3A_373 = arith.constant 0 : i32
      %dma_start3A_374 = tpu.memref_slice %arg4[%add3A_370, %dma_start3A_373] : memref<32768x1024xf32, #tpu.memory_space<hbm>> -> memref<16x1024xf32, #tpu.memory_space<hbm>>
      tpu.enqueue_dma source(%arg7 : memref<16x1024xf32, #tpu.memory_space<vmem>>) target(%dma_start3A_374 : memref<16x1024xf32, #tpu.memory_space<hbm>>) target_semaphore(%arg19 : memref<!tpu.dma_semaphore, #tpu.memory_space<semaphore_mem>>)
      %dma_wait3A_375 = arith.constant 0 : i32
      %dma_wait3A_376 = tpu.memref_slice %arg4[%mul3A_2, %dma_wait3A_375] : memref<32768x1024xf32, #tpu.memory_space<hbm>> -> memref<16x1024xf32, #tpu.memory_space<hbm>>
      %dma_wait3A_377 = arith.constant 0 : i32
      %dma_wait3A_378 = tpu.memref_slice %arg4[%mul3A_2, %dma_wait3A_377] : memref<32768x1024xf32, #tpu.memory_space<hbm>> -> memref<16x1024xf32, #tpu.memory_space<hbm>>
      tpu.wait_dma2 semaphore(%arg23 : memref<!tpu.dma_semaphore, #tpu.memory_space<semaphore_mem>>) src(%arg11 : memref<16x1024xf32, #tpu.memory_space<vmem>>) dst(%dma_wait3A_378 : memref<16x1024xf32, #tpu.memory_space<hbm>>)
      %add3A_379 = arith.constant 4 : i32
      %add3A_380 = arith.addi %add3A_362, %add3A_379 : i32
      %mul3A_381 = arith.constant 16 : i32
      %mul3A_382 = arith.muli %add3A_380, %mul3A_381 : i32
      %dma_start3A_383 = tpu.memref_slice %arg5[%mul3A_382] : memref<1024xi32, #tpu.memory_space<vmem>> -> memref<16xi32, #tpu.memory_space<vmem>>
      %dma_start3A_384 = arith.constant 0 : i32
      %dma_start3A_385 = arith.constant 0 : i32
      %dma_start3A_386 = tpu.memref_slice %arg2[%dma_start3A_384, %dma_start3A_385] : memref<8192x1024xf32, #tpu.memory_space<hbm>> -> memref<8192x1024xf32, #tpu.memory_space<hbm>>
      tpu.enqueue_indirect_dma source(%dma_start3A_386 : memref<8192x1024xf32, #tpu.memory_space<hbm>>) target(%arg11 : memref<16x1024xf32, #tpu.memory_space<vmem>>) offsets(%dma_start3A_383 : memref<16xi32, #tpu.memory_space<vmem>>) semaphore(%arg17 : memref<!tpu.dma_semaphore, #tpu.memory_space<semaphore_mem>>)
    }
    %scan3A_57 = arith.constant 9 : i32
    %dma_wait3A_58 = arith.constant 0 : i32
    %dma_wait3A_59 = tpu.memref_slice %arg5[%dma_wait3A_58] : memref<1024xi32, #tpu.memory_space<vmem>> -> memref<16xi32, #tpu.memory_space<vmem>>
    %dma_wait3A_60 = arith.constant 0 : i32
    %dma_wait3A_61 = arith.constant 0 : i32
    %dma_wait3A_62 = tpu.memref_slice %arg2[%dma_wait3A_60, %dma_wait3A_61] : memref<8192x1024xf32, #tpu.memory_space<hbm>> -> memref<8192x1024xf32, #tpu.memory_space<hbm>>
    tpu.wait_indirect_dma semaphore(%arg14 : memref<!tpu.dma_semaphore, #tpu.memory_space<semaphore_mem>>) src(%dma_wait3A_62 : memref<8192x1024xf32, #tpu.memory_space<hbm>>) dst(%arg8 : memref<16x1024xf32, #tpu.memory_space<vmem>>)
    %add3A_63 = arith.constant 896 : i32
    %add3A_64 = arith.addi %mul3A_2, %add3A_63 : i32
    %dma_start3A_65 = arith.constant 0 : i32
    %dma_start3A_66 = tpu.memref_slice %arg4[%add3A_64, %dma_start3A_65] : memref<32768x1024xf32, #tpu.memory_space<hbm>> -> memref<16x1024xf32, #tpu.memory_space<hbm>>
    %dma_start3A_67 = arith.constant 0 : i32
    %dma_start3A_68 = tpu.memref_slice %arg4[%add3A_64, %dma_start3A_67] : memref<32768x1024xf32, #tpu.memory_space<hbm>> -> memref<16x1024xf32, #tpu.memory_space<hbm>>
    tpu.enqueue_dma source(%arg8 : memref<16x1024xf32, #tpu.memory_space<vmem>>) target(%dma_start3A_68 : memref<16x1024xf32, #tpu.memory_space<hbm>>) target_semaphore(%arg20 : memref<!tpu.dma_semaphore, #tpu.memory_space<semaphore_mem>>)
    %dma_wait3A_69 = arith.constant 0 : i32
    %dma_wait3A_70 = tpu.memref_slice %arg4[%mul3A_2, %dma_wait3A_69] : memref<32768x1024xf32, #tpu.memory_space<hbm>> -> memref<16x1024xf32, #tpu.memory_space<hbm>>
    %dma_wait3A_71 = arith.constant 0 : i32
    %dma_wait3A_72 = tpu.memref_slice %arg4[%mul3A_2, %dma_wait3A_71] : memref<32768x1024xf32, #tpu.memory_space<hbm>> -> memref<16x1024xf32, #tpu.memory_space<hbm>>
    tpu.wait_dma2 semaphore(%arg18 : memref<!tpu.dma_semaphore, #tpu.memory_space<semaphore_mem>>) src(%arg6 : memref<16x1024xf32, #tpu.memory_space<vmem>>) dst(%dma_wait3A_72 : memref<16x1024xf32, #tpu.memory_space<hbm>>)
    %dma_start3A_73 = arith.constant 960 : i32
    %dma_start3A_74 = tpu.memref_slice %arg5[%dma_start3A_73] : memref<1024xi32, #tpu.memory_space<vmem>> -> memref<16xi32, #tpu.memory_space<vmem>>
    %dma_start3A_75 = arith.constant 0 : i32
    %dma_start3A_76 = arith.constant 0 : i32
    %dma_start3A_77 = tpu.memref_slice %arg2[%dma_start3A_75, %dma_start3A_76] : memref<8192x1024xf32, #tpu.memory_space<hbm>> -> memref<8192x1024xf32, #tpu.memory_space<hbm>>
    tpu.enqueue_indirect_dma source(%dma_start3A_77 : memref<8192x1024xf32, #tpu.memory_space<hbm>>) target(%arg6 : memref<16x1024xf32, #tpu.memory_space<vmem>>) offsets(%dma_start3A_74 : memref<16xi32, #tpu.memory_space<vmem>>) semaphore(%arg12 : memref<!tpu.dma_semaphore, #tpu.memory_space<semaphore_mem>>)
    %dma_wait3A_78 = arith.constant 0 : i32
    %dma_wait3A_79 = tpu.memref_slice %arg5[%dma_wait3A_78] : memref<1024xi32, #tpu.memory_space<vmem>> -> memref<16xi32, #tpu.memory_space<vmem>>
    %dma_wait3A_80 = arith.constant 0 : i32
    %dma_wait3A_81 = arith.constant 0 : i32
    %dma_wait3A_82 = tpu.memref_slice %arg2[%dma_wait3A_80, %dma_wait3A_81] : memref<8192x1024xf32, #tpu.memory_space<hbm>> -> memref<8192x1024xf32, #tpu.memory_space<hbm>>
    tpu.wait_indirect_dma semaphore(%arg15 : memref<!tpu.dma_semaphore, #tpu.memory_space<semaphore_mem>>) src(%dma_wait3A_82 : memref<8192x1024xf32, #tpu.memory_space<hbm>>) dst(%arg9 : memref<16x1024xf32, #tpu.memory_space<vmem>>)
    %add3A_83 = arith.constant 912 : i32
    %add3A_84 = arith.addi %mul3A_2, %add3A_83 : i32
    %dma_start3A_85 = arith.constant 0 : i32
    %dma_start3A_86 = tpu.memref_slice %arg4[%add3A_84, %dma_start3A_85] : memref<32768x1024xf32, #tpu.memory_space<hbm>> -> memref<16x1024xf32, #tpu.memory_space<hbm>>
    %dma_start3A_87 = arith.constant 0 : i32
    %dma_start3A_88 = tpu.memref_slice %arg4[%add3A_84, %dma_start3A_87] : memref<32768x1024xf32, #tpu.memory_space<hbm>> -> memref<16x1024xf32, #tpu.memory_space<hbm>>
    tpu.enqueue_dma source(%arg9 : memref<16x1024xf32, #tpu.memory_space<vmem>>) target(%dma_start3A_88 : memref<16x1024xf32, #tpu.memory_space<hbm>>) target_semaphore(%arg21 : memref<!tpu.dma_semaphore, #tpu.memory_space<semaphore_mem>>)
    %dma_wait3A_89 = arith.constant 0 : i32
    %dma_wait3A_90 = tpu.memref_slice %arg4[%mul3A_2, %dma_wait3A_89] : memref<32768x1024xf32, #tpu.memory_space<hbm>> -> memref<16x1024xf32, #tpu.memory_space<hbm>>
    %dma_wait3A_91 = arith.constant 0 : i32
    %dma_wait3A_92 = tpu.memref_slice %arg4[%mul3A_2, %dma_wait3A_91] : memref<32768x1024xf32, #tpu.memory_space<hbm>> -> memref<16x1024xf32, #tpu.memory_space<hbm>>
    tpu.wait_dma2 semaphore(%arg19 : memref<!tpu.dma_semaphore, #tpu.memory_space<semaphore_mem>>) src(%arg7 : memref<16x1024xf32, #tpu.memory_space<vmem>>) dst(%dma_wait3A_92 : memref<16x1024xf32, #tpu.memory_space<hbm>>)
    %dma_start3A_93 = arith.constant 976 : i32
    %dma_start3A_94 = tpu.memref_slice %arg5[%dma_start3A_93] : memref<1024xi32, #tpu.memory_space<vmem>> -> memref<16xi32, #tpu.memory_space<vmem>>
    %dma_start3A_95 = arith.constant 0 : i32
    %dma_start3A_96 = arith.constant 0 : i32
    %dma_start3A_97 = tpu.memref_slice %arg2[%dma_start3A_95, %dma_start3A_96] : memref<8192x1024xf32, #tpu.memory_space<hbm>> -> memref<8192x1024xf32, #tpu.memory_space<hbm>>
    tpu.enqueue_indirect_dma source(%dma_start3A_97 : memref<8192x1024xf32, #tpu.memory_space<hbm>>) target(%arg7 : memref<16x1024xf32, #tpu.memory_space<vmem>>) offsets(%dma_start3A_94 : memref<16xi32, #tpu.memory_space<vmem>>) semaphore(%arg13 : memref<!tpu.dma_semaphore, #tpu.memory_space<semaphore_mem>>)
    %dma_wait3A_98 = arith.constant 0 : i32
    %dma_wait3A_99 = tpu.memref_slice %arg5[%dma_wait3A_98] : memref<1024xi32, #tpu.memory_space<vmem>> -> memref<16xi32, #tpu.memory_space<vmem>>
    %dma_wait3A_100 = arith.constant 0 : i32
    %dma_wait3A_101 = arith.constant 0 : i32
    %dma_wait3A_102 = tpu.memref_slice %arg2[%dma_wait3A_100, %dma_wait3A_101] : memref<8192x1024xf32, #tpu.memory_space<hbm>> -> memref<8192x1024xf32, #tpu.memory_space<hbm>>
    tpu.wait_indirect_dma semaphore(%arg16 : memref<!tpu.dma_semaphore, #tpu.memory_space<semaphore_mem>>) src(%dma_wait3A_102 : memref<8192x1024xf32, #tpu.memory_space<hbm>>) dst(%arg10 : memref<16x1024xf32, #tpu.memory_space<vmem>>)
    %add3A_103 = arith.constant 928 : i32
    %add3A_104 = arith.addi %mul3A_2, %add3A_103 : i32
    %dma_start3A_105 = arith.constant 0 : i32
    %dma_start3A_106 = tpu.memref_slice %arg4[%add3A_104, %dma_start3A_105] : memref<32768x1024xf32, #tpu.memory_space<hbm>> -> memref<16x1024xf32, #tpu.memory_space<hbm>>
    %dma_start3A_107 = arith.constant 0 : i32
    %dma_start3A_108 = tpu.memref_slice %arg4[%add3A_104, %dma_start3A_107] : memref<32768x1024xf32, #tpu.memory_space<hbm>> -> memref<16x1024xf32, #tpu.memory_space<hbm>>
    tpu.enqueue_dma source(%arg10 : memref<16x1024xf32, #tpu.memory_space<vmem>>) target(%dma_start3A_108 : memref<16x1024xf32, #tpu.memory_space<hbm>>) target_semaphore(%arg22 : memref<!tpu.dma_semaphore, #tpu.memory_space<semaphore_mem>>)
    %dma_wait3A_109 = arith.constant 0 : i32
    %dma_wait3A_110 = tpu.memref_slice %arg4[%mul3A_2, %dma_wait3A_109] : memref<32768x1024xf32, #tpu.memory_space<hbm>> -> memref<16x1024xf32, #tpu.memory_space<hbm>>
    %dma_wait3A_111 = arith.constant 0 : i32
    %dma_wait3A_112 = tpu.memref_slice %arg4[%mul3A_2, %dma_wait3A_111] : memref<32768x1024xf32, #tpu.memory_space<hbm>> -> memref<16x1024xf32, #tpu.memory_space<hbm>>
    tpu.wait_dma2 semaphore(%arg20 : memref<!tpu.dma_semaphore, #tpu.memory_space<semaphore_mem>>) src(%arg8 : memref<16x1024xf32, #tpu.memory_space<vmem>>) dst(%dma_wait3A_112 : memref<16x1024xf32, #tpu.memory_space<hbm>>)
    %dma_start3A_113 = arith.constant 992 : i32
    %dma_start3A_114 = tpu.memref_slice %arg5[%dma_start3A_113] : memref<1024xi32, #tpu.memory_space<vmem>> -> memref<16xi32, #tpu.memory_space<vmem>>
    %dma_start3A_115 = arith.constant 0 : i32
    %dma_start3A_116 = arith.constant 0 : i32
    %dma_start3A_117 = tpu.memref_slice %arg2[%dma_start3A_115, %dma_start3A_116] : memref<8192x1024xf32, #tpu.memory_space<hbm>> -> memref<8192x1024xf32, #tpu.memory_space<hbm>>
    tpu.enqueue_indirect_dma source(%dma_start3A_117 : memref<8192x1024xf32, #tpu.memory_space<hbm>>) target(%arg8 : memref<16x1024xf32, #tpu.memory_space<vmem>>) offsets(%dma_start3A_114 : memref<16xi32, #tpu.memory_space<vmem>>) semaphore(%arg14 : memref<!tpu.dma_semaphore, #tpu.memory_space<semaphore_mem>>)
    %dma_wait3A_118 = arith.constant 0 : i32
    %dma_wait3A_119 = tpu.memref_slice %arg5[%dma_wait3A_118] : memref<1024xi32, #tpu.memory_space<vmem>> -> memref<16xi32, #tpu.memory_space<vmem>>
    %dma_wait3A_120 = arith.constant 0 : i32
    %dma_wait3A_121 = arith.constant 0 : i32
    %dma_wait3A_122 = tpu.memref_slice %arg2[%dma_wait3A_120, %dma_wait3A_121] : memref<8192x1024xf32, #tpu.memory_space<hbm>> -> memref<8192x1024xf32, #tpu.memory_space<hbm>>
    tpu.wait_indirect_dma semaphore(%arg17 : memref<!tpu.dma_semaphore, #tpu.memory_space<semaphore_mem>>) src(%dma_wait3A_122 : memref<8192x1024xf32, #tpu.memory_space<hbm>>) dst(%arg11 : memref<16x1024xf32, #tpu.memory_space<vmem>>)
    %add3A_123 = arith.constant 944 : i32
    %add3A_124 = arith.addi %mul3A_2, %add3A_123 : i32
    %dma_start3A_125 = arith.constant 0 : i32
    %dma_start3A_126 = tpu.memref_slice %arg4[%add3A_124, %dma_start3A_125] : memref<32768x1024xf32, #tpu.memory_space<hbm>> -> memref<16x1024xf32, #tpu.memory_space<hbm>>
    %dma_start3A_127 = arith.constant 0 : i32
    %dma_start3A_128 = tpu.memref_slice %arg4[%add3A_124, %dma_start3A_127] : memref<32768x1024xf32, #tpu.memory_space<hbm>> -> memref<16x1024xf32, #tpu.memory_space<hbm>>
    tpu.enqueue_dma source(%arg11 : memref<16x1024xf32, #tpu.memory_space<vmem>>) target(%dma_start3A_128 : memref<16x1024xf32, #tpu.memory_space<hbm>>) target_semaphore(%arg23 : memref<!tpu.dma_semaphore, #tpu.memory_space<semaphore_mem>>)
    %dma_wait3A_129 = arith.constant 0 : i32
    %dma_wait3A_130 = tpu.memref_slice %arg4[%mul3A_2, %dma_wait3A_129] : memref<32768x1024xf32, #tpu.memory_space<hbm>> -> memref<16x1024xf32, #tpu.memory_space<hbm>>
    %dma_wait3A_131 = arith.constant 0 : i32
    %dma_wait3A_132 = tpu.memref_slice %arg4[%mul3A_2, %dma_wait3A_131] : memref<32768x1024xf32, #tpu.memory_space<hbm>> -> memref<16x1024xf32, #tpu.memory_space<hbm>>
    tpu.wait_dma2 semaphore(%arg21 : memref<!tpu.dma_semaphore, #tpu.memory_space<semaphore_mem>>) src(%arg9 : memref<16x1024xf32, #tpu.memory_space<vmem>>) dst(%dma_wait3A_132 : memref<16x1024xf32, #tpu.memory_space<hbm>>)
    %dma_start3A_133 = arith.constant 1008 : i32
    %dma_start3A_134 = tpu.memref_slice %arg5[%dma_start3A_133] : memref<1024xi32, #tpu.memory_space<vmem>> -> memref<16xi32, #tpu.memory_space<vmem>>
    %dma_start3A_135 = arith.constant 0 : i32
    %dma_start3A_136 = arith.constant 0 : i32
    %dma_start3A_137 = tpu.memref_slice %arg2[%dma_start3A_135, %dma_start3A_136] : memref<8192x1024xf32, #tpu.memory_space<hbm>> -> memref<8192x1024xf32, #tpu.memory_space<hbm>>
    tpu.enqueue_indirect_dma source(%dma_start3A_137 : memref<8192x1024xf32, #tpu.memory_space<hbm>>) target(%arg9 : memref<16x1024xf32, #tpu.memory_space<vmem>>) offsets(%dma_start3A_134 : memref<16xi32, #tpu.memory_space<vmem>>) semaphore(%arg15 : memref<!tpu.dma_semaphore, #tpu.memory_space<semaphore_mem>>)
    %dma_wait3A_138 = arith.constant 0 : i32
    %dma_wait3A_139 = tpu.memref_slice %arg5[%dma_wait3A_138] : memref<1024xi32, #tpu.memory_space<vmem>> -> memref<16xi32, #tpu.memory_space<vmem>>
    %dma_wait3A_140 = arith.constant 0 : i32
    %dma_wait3A_141 = arith.constant 0 : i32
    %dma_wait3A_142 = tpu.memref_slice %arg2[%dma_wait3A_140, %dma_wait3A_141] : memref<8192x1024xf32, #tpu.memory_space<hbm>> -> memref<8192x1024xf32, #tpu.memory_space<hbm>>
    tpu.wait_indirect_dma semaphore(%arg12 : memref<!tpu.dma_semaphore, #tpu.memory_space<semaphore_mem>>) src(%dma_wait3A_142 : memref<8192x1024xf32, #tpu.memory_space<hbm>>) dst(%arg6 : memref<16x1024xf32, #tpu.memory_space<vmem>>)
    %add3A_143 = arith.constant 960 : i32
    %add3A_144 = arith.addi %mul3A_2, %add3A_143 : i32
    %dma_start3A_145 = arith.constant 0 : i32
    %dma_start3A_146 = tpu.memref_slice %arg4[%add3A_144, %dma_start3A_145] : memref<32768x1024xf32, #tpu.memory_space<hbm>> -> memref<16x1024xf32, #tpu.memory_space<hbm>>
    %dma_start3A_147 = arith.constant 0 : i32
    %dma_start3A_148 = tpu.memref_slice %arg4[%add3A_144, %dma_start3A_147] : memref<32768x1024xf32, #tpu.memory_space<hbm>> -> memref<16x1024xf32, #tpu.memory_space<hbm>>
    tpu.enqueue_dma source(%arg6 : memref<16x1024xf32, #tpu.memory_space<vmem>>) target(%dma_start3A_148 : memref<16x1024xf32, #tpu.memory_space<hbm>>) target_semaphore(%arg18 : memref<!tpu.dma_semaphore, #tpu.memory_space<semaphore_mem>>)
    %dma_wait3A_149 = arith.constant 0 : i32
    %dma_wait3A_150 = tpu.memref_slice %arg5[%dma_wait3A_149] : memref<1024xi32, #tpu.memory_space<vmem>> -> memref<16xi32, #tpu.memory_space<vmem>>
    %dma_wait3A_151 = arith.constant 0 : i32
    %dma_wait3A_152 = arith.constant 0 : i32
    %dma_wait3A_153 = tpu.memref_slice %arg2[%dma_wait3A_151, %dma_wait3A_152] : memref<8192x1024xf32, #tpu.memory_space<hbm>> -> memref<8192x1024xf32, #tpu.memory_space<hbm>>
    tpu.wait_indirect_dma semaphore(%arg13 : memref<!tpu.dma_semaphore, #tpu.memory_space<semaphore_mem>>) src(%dma_wait3A_153 : memref<8192x1024xf32, #tpu.memory_space<hbm>>) dst(%arg7 : memref<16x1024xf32, #tpu.memory_space<vmem>>)
    %add3A_154 = arith.constant 976 : i32
    %add3A_155 = arith.addi %mul3A_2, %add3A_154 : i32
    %dma_start3A_156 = arith.constant 0 : i32
    %dma_start3A_157 = tpu.memref_slice %arg4[%add3A_155, %dma_start3A_156] : memref<32768x1024xf32, #tpu.memory_space<hbm>> -> memref<16x1024xf32, #tpu.memory_space<hbm>>
    %dma_start3A_158 = arith.constant 0 : i32
    %dma_start3A_159 = tpu.memref_slice %arg4[%add3A_155, %dma_start3A_158] : memref<32768x1024xf32, #tpu.memory_space<hbm>> -> memref<16x1024xf32, #tpu.memory_space<hbm>>
    tpu.enqueue_dma source(%arg7 : memref<16x1024xf32, #tpu.memory_space<vmem>>) target(%dma_start3A_159 : memref<16x1024xf32, #tpu.memory_space<hbm>>) target_semaphore(%arg19 : memref<!tpu.dma_semaphore, #tpu.memory_space<semaphore_mem>>)
    %dma_wait3A_160 = arith.constant 0 : i32
    %dma_wait3A_161 = tpu.memref_slice %arg5[%dma_wait3A_160] : memref<1024xi32, #tpu.memory_space<vmem>> -> memref<16xi32, #tpu.memory_space<vmem>>
    %dma_wait3A_162 = arith.constant 0 : i32
    %dma_wait3A_163 = arith.constant 0 : i32
    %dma_wait3A_164 = tpu.memref_slice %arg2[%dma_wait3A_162, %dma_wait3A_163] : memref<8192x1024xf32, #tpu.memory_space<hbm>> -> memref<8192x1024xf32, #tpu.memory_space<hbm>>
    tpu.wait_indirect_dma semaphore(%arg14 : memref<!tpu.dma_semaphore, #tpu.memory_space<semaphore_mem>>) src(%dma_wait3A_164 : memref<8192x1024xf32, #tpu.memory_space<hbm>>) dst(%arg8 : memref<16x1024xf32, #tpu.memory_space<vmem>>)
    %add3A_165 = arith.constant 992 : i32
    %add3A_166 = arith.addi %mul3A_2, %add3A_165 : i32
    %dma_start3A_167 = arith.constant 0 : i32
    %dma_start3A_168 = tpu.memref_slice %arg4[%add3A_166, %dma_start3A_167] : memref<32768x1024xf32, #tpu.memory_space<hbm>> -> memref<16x1024xf32, #tpu.memory_space<hbm>>
    %dma_start3A_169 = arith.constant 0 : i32
    %dma_start3A_170 = tpu.memref_slice %arg4[%add3A_166, %dma_start3A_169] : memref<32768x1024xf32, #tpu.memory_space<hbm>> -> memref<16x1024xf32, #tpu.memory_space<hbm>>
    tpu.enqueue_dma source(%arg8 : memref<16x1024xf32, #tpu.memory_space<vmem>>) target(%dma_start3A_170 : memref<16x1024xf32, #tpu.memory_space<hbm>>) target_semaphore(%arg20 : memref<!tpu.dma_semaphore, #tpu.memory_space<semaphore_mem>>)
    %dma_wait3A_171 = arith.constant 0 : i32
    %dma_wait3A_172 = tpu.memref_slice %arg5[%dma_wait3A_171] : memref<1024xi32, #tpu.memory_space<vmem>> -> memref<16xi32, #tpu.memory_space<vmem>>
    %dma_wait3A_173 = arith.constant 0 : i32
    %dma_wait3A_174 = arith.constant 0 : i32
    %dma_wait3A_175 = tpu.memref_slice %arg2[%dma_wait3A_173, %dma_wait3A_174] : memref<8192x1024xf32, #tpu.memory_space<hbm>> -> memref<8192x1024xf32, #tpu.memory_space<hbm>>
    tpu.wait_indirect_dma semaphore(%arg15 : memref<!tpu.dma_semaphore, #tpu.memory_space<semaphore_mem>>) src(%dma_wait3A_175 : memref<8192x1024xf32, #tpu.memory_space<hbm>>) dst(%arg9 : memref<16x1024xf32, #tpu.memory_space<vmem>>)
    %add3A_176 = arith.constant 1008 : i32
    %add3A_177 = arith.addi %mul3A_2, %add3A_176 : i32
    %dma_start3A_178 = arith.constant 0 : i32
    %dma_start3A_179 = tpu.memref_slice %arg4[%add3A_177, %dma_start3A_178] : memref<32768x1024xf32, #tpu.memory_space<hbm>> -> memref<16x1024xf32, #tpu.memory_space<hbm>>
    %dma_start3A_180 = arith.constant 0 : i32
    %dma_start3A_181 = tpu.memref_slice %arg4[%add3A_177, %dma_start3A_180] : memref<32768x1024xf32, #tpu.memory_space<hbm>> -> memref<16x1024xf32, #tpu.memory_space<hbm>>
    tpu.enqueue_dma source(%arg9 : memref<16x1024xf32, #tpu.memory_space<vmem>>) target(%dma_start3A_181 : memref<16x1024xf32, #tpu.memory_space<hbm>>) target_semaphore(%arg21 : memref<!tpu.dma_semaphore, #tpu.memory_space<semaphore_mem>>)
    %dma_wait3A_182 = arith.constant 0 : i32
    %dma_wait3A_183 = tpu.memref_slice %arg4[%mul3A_2, %dma_wait3A_182] : memref<32768x1024xf32, #tpu.memory_space<hbm>> -> memref<16x1024xf32, #tpu.memory_space<hbm>>
    %dma_wait3A_184 = arith.constant 0 : i32
    %dma_wait3A_185 = tpu.memref_slice %arg4[%mul3A_2, %dma_wait3A_184] : memref<32768x1024xf32, #tpu.memory_space<hbm>> -> memref<16x1024xf32, #tpu.memory_space<hbm>>
    tpu.wait_dma2 semaphore(%arg22 : memref<!tpu.dma_semaphore, #tpu.memory_space<semaphore_mem>>) src(%arg10 : memref<16x1024xf32, #tpu.memory_space<vmem>>) dst(%dma_wait3A_185 : memref<16x1024xf32, #tpu.memory_space<hbm>>)
    %dma_wait3A_186 = arith.constant 0 : i32
    %dma_wait3A_187 = tpu.memref_slice %arg4[%mul3A_2, %dma_wait3A_186] : memref<32768x1024xf32, #tpu.memory_space<hbm>> -> memref<16x1024xf32, #tpu.memory_space<hbm>>
    %dma_wait3A_188 = arith.constant 0 : i32
    %dma_wait3A_189 = tpu.memref_slice %arg4[%mul3A_2, %dma_wait3A_188] : memref<32768x1024xf32, #tpu.memory_space<hbm>> -> memref<16x1024xf32, #tpu.memory_space<hbm>>
    tpu.wait_dma2 semaphore(%arg23 : memref<!tpu.dma_semaphore, #tpu.memory_space<semaphore_mem>>) src(%arg11 : memref<16x1024xf32, #tpu.memory_space<vmem>>) dst(%dma_wait3A_189 : memref<16x1024xf32, #tpu.memory_space<hbm>>)
    %dma_wait3A_190 = arith.constant 0 : i32
    %dma_wait3A_191 = tpu.memref_slice %arg4[%mul3A_2, %dma_wait3A_190] : memref<32768x1024xf32, #tpu.memory_space<hbm>> -> memref<16x1024xf32, #tpu.memory_space<hbm>>
    %dma_wait3A_192 = arith.constant 0 : i32
    %dma_wait3A_193 = tpu.memref_slice %arg4[%mul3A_2, %dma_wait3A_192] : memref<32768x1024xf32, #tpu.memory_space<hbm>> -> memref<16x1024xf32, #tpu.memory_space<hbm>>
    tpu.wait_dma2 semaphore(%arg18 : memref<!tpu.dma_semaphore, #tpu.memory_space<semaphore_mem>>) src(%arg6 : memref<16x1024xf32, #tpu.memory_space<vmem>>) dst(%dma_wait3A_193 : memref<16x1024xf32, #tpu.memory_space<hbm>>)
    %dma_wait3A_194 = arith.constant 0 : i32
    %dma_wait3A_195 = tpu.memref_slice %arg4[%mul3A_2, %dma_wait3A_194] : memref<32768x1024xf32, #tpu.memory_space<hbm>> -> memref<16x1024xf32, #tpu.memory_space<hbm>>
    %dma_wait3A_196 = arith.constant 0 : i32
    %dma_wait3A_197 = tpu.memref_slice %arg4[%mul3A_2, %dma_wait3A_196] : memref<32768x1024xf32, #tpu.memory_space<hbm>> -> memref<16x1024xf32, #tpu.memory_space<hbm>>
    tpu.wait_dma2 semaphore(%arg19 : memref<!tpu.dma_semaphore, #tpu.memory_space<semaphore_mem>>) src(%arg7 : memref<16x1024xf32, #tpu.memory_space<vmem>>) dst(%dma_wait3A_197 : memref<16x1024xf32, #tpu.memory_space<hbm>>)
    %dma_wait3A_198 = arith.constant 0 : i32
    %dma_wait3A_199 = tpu.memref_slice %arg4[%mul3A_2, %dma_wait3A_198] : memref<32768x1024xf32, #tpu.memory_space<hbm>> -> memref<16x1024xf32, #tpu.memory_space<hbm>>
    %dma_wait3A_200 = arith.constant 0 : i32
    %dma_wait3A_201 = tpu.memref_slice %arg4[%mul3A_2, %dma_wait3A_200] : memref<32768x1024xf32, #tpu.memory_space<hbm>> -> memref<16x1024xf32, #tpu.memory_space<hbm>>
    tpu.wait_dma2 semaphore(%arg20 : memref<!tpu.dma_semaphore, #tpu.memory_space<semaphore_mem>>) src(%arg8 : memref<16x1024xf32, #tpu.memory_space<vmem>>) dst(%dma_wait3A_201 : memref<16x1024xf32, #tpu.memory_space<hbm>>)
    %dma_wait3A_202 = arith.constant 0 : i32
    %dma_wait3A_203 = tpu.memref_slice %arg4[%mul3A_2, %dma_wait3A_202] : memref<32768x1024xf32, #tpu.memory_space<hbm>> -> memref<16x1024xf32, #tpu.memory_space<hbm>>
    %dma_wait3A_204 = arith.constant 0 : i32
    %dma_wait3A_205 = tpu.memref_slice %arg4[%mul3A_2, %dma_wait3A_204] : memref<32768x1024xf32, #tpu.memory_space<hbm>> -> memref<16x1024xf32, #tpu.memory_space<hbm>>
    tpu.wait_dma2 semaphore(%arg21 : memref<!tpu.dma_semaphore, #tpu.memory_space<semaphore_mem>>) src(%arg9 : memref<16x1024xf32, #tpu.memory_space<vmem>>) dst(%dma_wait3A_205 : memref<16x1024xf32, #tpu.memory_space<hbm>>)
    return
  }
}

</mosaic_0001>

<sc_bundles>
// kernel: kernel.3.cloned.1.call-start
scs
__scs_entry_jumppad:
0x0: {  	(pc) =	sbr.rel $0x88, $3  }
0x1: {  	(tag) =	ssettag $0x0;
	lr =	simm.s32 $0x1  }
0x2: {  	[smem:$0x3F9F] =	sst lr;
	_ =	strace $0xD0000000  }
0x3: {  	_ = 	snop  }
0x4: {  	_ = 	snop  }
0x5: {  	_ = 	snop  }
0x6: {  	_ = 	snop  }
0x7: {  	_ = 	snop  }
__scs_overlays_trampoline_lowered:
0x8: {  	[smem:$0x3FAE] =	sst s0  }
0x9: {  	[smem:$0x3FAF] =	sst s1  }
0xa: {  	[smem:$0x3FB0] =	sst s2  }
0xb: {  	[smem:$0x3FB1] =	sst s3  }
0xc: {  	[smem:$0x3FB2] =	sst s4  }
0xd: {  	[smem:$0x3FB3] =	sst s5  }
0xe: {  	[smem:$0x3FB4] =	sst s6  }
0xf: {  	[smem:$0x3FB5] =	sst s7  }
0x10: {  	[smem:$0x3FB6] =	sst s8  }
0x11: {  	[smem:$0x3FB7] =	sst s9;
	s0 =	simm.s32 @!p0 $0x0  }
0x12: {  	s1 =	sld [smem:$0x3F9D];
	s0 =	simm.s32 @p0 $0x1  }
0x13: {  	[smem:$0x3FB8] =	sst s0;
	s0 =	simm.s32 @!p1 $0x0  }
0x14: {  	s2 =	sld [smem:$0x3F9C];
	s0 =	simm.s32 @p1 $0x1  }
0x15: {  	[smem:$0x3FB9] =	sst s0;
	s0 =	simm.s32 @!p2 $0x0  }
0x16: {  	s3 =	sld [smem:$0x3FDB];
	s0 =	simm.s32 @p2 $0x1  }
0x17: {  	s4 =	simm.s32 $0x1BF5;
	[smem:$0x3FBB] =	sst s0  }
0x18: {  	s0 =	sld [smem:$0x3F9E];
	_ =	swait.ge [sflag:s4], $0x0  }
0x19: {  	s7 =	sld [smem:$0x3F9F]  }
0x1a: {  	s8 =	sadd.s32 $0xFFFFE003, lr  }
0x1b: {  	s9 =	sadd.s32 $0xFFFFFEF7, lr;
	s5 =	simm.s32 $0xFFFFFFFF;
	p2 =	slt.u32 s8, $0xFFFFF086  }
0x1c: {  	p1 =	slt.u32 s9, $0xF7A;
	s5 =	simm.s32 @!p2 $0x0  }
0x1d: {  	s5 =	simm.s32 @p1 $0x1;
	p0 =	seq.s32 s7, s2  }
0x1e: {  	s7 =	smul.u32 @!p0 $0xF7A, s2;
	p2 =	seq.s32 @!p0 s5, $0x0  }
0x1f: {  	s9 =	smul.u32 $0xF7A, s1;
	s8 =	simm.s32 @!p0 $0x1BF5;
	p2 =	por !p2, p0  }
0x20: {  	[sflag:s8] =	ssyncset.s32 @!p0 $0xFFFFF086;
	s6 =	sadd.s32 @!p0 s3, s7;
	s7 =	simm.s32 @!p0 $0x108  }
0x21: {  	s3 =	sadd.s32 s3, s9;
	s6 =	sadd.s32 @!p0 $0x88, s6;
	s7 =	simm.s32 @p2 $0x1082  }
0x22: {  	[simem:s7], [sflag:s8] =	dma.local @!p0 [hbm:s6], $0xF7A  }
0x23: {  	s9 =	sor.u32 $0xD0000000, s2;
	s6 =	simm.s32 $0x108;
	_ =	swait.ge @!p0 [sflag:s8], $0x0  }
0x24: {  	s3 =	sadd.s32 $0x88, s3;
	s6 =	simm.s32 @!p1 $0x1082;
	[sflag:s4] =	ssyncset.s32 $0xFFFFF086  }
0x25: {  	[simem:s6], [sflag:s4] =	dma.local [hbm:s3], $0xF7A  }
0x26: {  	[smem:$0x3F9F] =	sst s1;
	(tag) =	ssettag s2;
	_ =	strace s9  }
0x27: {  	s1 =	sld [smem:$0x3FAF]  }
0x28: {  	s2 =	sld [smem:$0x3FB0]  }
0x29: {  	s4 =	sld [smem:$0x3FB2]  }
0x2a: {  	p0 =	seq.s32 s5, $0x0;
	s5 =	sld [smem:$0x3FB3]  }
0x2b: {  	s6 =	sld [smem:$0x3FB4]  }
0x2c: {  	s7 =	sld [smem:$0x3FB5]  }
0x2d: {  	s3 =	simm.s32 $0x108;
	s8 =	sld [smem:$0x3FB6]  }
0x2e: {  	s3 =	simm.s32 @!p0 $0x1082;
	s9 =	sld [smem:$0x3FB7]  }
0x2f: {  	lr =	sadd.s32 s0, s3;
	s0 =	sld [smem:$0x3FAE]  }
0x30: {  	s3 =	sld [smem:$0x3FB1]  }
0x31: {  	[smem:$0x3FBA] =	sst s10  }
0x32: {  	s10 =	sld [smem:$0x3FB8];
	_ =	sdelay $0x3  }
0x33: {  	p0 =	seq.s32 s10, $0x1;
	s10 =	sld [smem:$0x3FBA];
	_ =	sdelay $0x3  }
0x34: {  	[smem:$0x3FBA] =	sst s10  }
0x35: {  	s10 =	sld [smem:$0x3FB9];
	_ =	sdelay $0x3  }
0x36: {  	p1 =	seq.s32 s10, $0x1;
	s10 =	sld [smem:$0x3FBA];
	_ =	sdelay $0x3  }
0x37: {  	[smem:$0x3FBA] =	sst s10  }
0x38: {  	s10 =	sld [smem:$0x3FBB]  }
0x39: {  	_ = 	snop;
	(pc) =	sbr.ind lr, $3  }
0x3a: {  	_ = 	snop  }
0x3b: {  	_ = 	snop  }
0x3c: {  	p2 =	seq.s32 s10, $0x1;
	s10 =	sld [smem:$0x3FBA]  }
0x3d: {  	_ =	shalt  }
0x3e: {  	_ =	shalt  }
0x3f: {  	_ =	shalt  }
0x40: {  	_ =	shalt  }
0x41: {  	_ =	shalt  }
0x42: {  	_ =	shalt  }
0x43: {  	_ =	shalt  }
0x44: {  	_ =	shalt  }
0x45: {  	_ =	shalt  }
0x46: {  	_ =	shalt  }
0x47: {  	_ =	shalt  }
0x48: {  	_ =	shalt  }
0x49: {  	_ =	shalt  }
0x4a: {  	_ =	shalt  }
0x4b: {  	_ =	shalt  }
0x4c: {  	_ =	shalt  }
0x4d: {  	_ =	shalt  }
0x4e: {  	_ =	shalt  }
0x4f: {  	_ =	shalt  }
0x50: {  	_ =	shalt  }
0x51: {  	_ =	shalt  }
0x52: {  	_ =	shalt  }
0x53: {  	_ =	shalt  }
0x54: {  	_ =	shalt  }
0x55: {  	_ =	shalt  }
0x56: {  	_ =	shalt  }
0x57: {  	_ =	shalt  }
0x58: {  	_ =	shalt  }
0x59: {  	_ =	shalt  }
0x5a: {  	_ =	shalt  }
0x5b: {  	_ =	shalt  }
0x5c: {  	_ =	shalt  }
0x5d: {  	_ =	shalt  }
0x5e: {  	_ =	shalt  }
0x5f: {  	_ =	shalt  }
0x60: {  	_ =	shalt  }
0x61: {  	_ =	shalt  }
0x62: {  	_ =	shalt  }
0x63: {  	_ =	shalt  }
0x64: {  	_ =	shalt  }
0x65: {  	_ =	shalt  }
0x66: {  	_ =	shalt  }
0x67: {  	_ =	shalt  }
0x68: {  	_ =	shalt  }
0x69: {  	_ =	shalt  }
0x6a: {  	_ =	shalt  }
0x6b: {  	_ =	shalt  }
0x6c: {  	_ =	shalt  }
0x6d: {  	_ =	shalt  }
0x6e: {  	_ =	shalt  }
0x6f: {  	_ =	shalt  }
0x70: {  	_ =	shalt  }
0x71: {  	_ =	shalt  }
0x72: {  	_ =	shalt  }
0x73: {  	_ =	shalt  }
0x74: {  	_ =	shalt  }
0x75: {  	_ =	shalt  }
0x76: {  	_ =	shalt  }
0x77: {  	_ =	shalt  }
0x78: {  	_ =	shalt  }
0x79: {  	_ =	shalt  }
0x7a: {  	_ =	shalt  }
0x7b: {  	_ =	shalt  }
0x7c: {  	_ =	shalt  }
0x7d: {  	_ =	shalt  }
0x7e: {  	_ =	shalt  }
0x7f: {  	_ =	shalt  }
0x80: {  	_ =	shalt  }
0x81: {  	_ =	shalt  }
0x82: {  	_ =	shalt  }
0x83: {  	_ =	shalt  }
0x84: {  	_ =	shalt  }
0x85: {  	_ =	shalt  }
0x86: {  	_ =	shalt  }
0x87: {  	_ =	shalt  }
.Lfunc_end0:
.L_simem_size_0:
called_computation_lowered:
.L_overlay_start_0:
0x88: {  	s2 =	sld [smem:$0x3FD9]  }
0x89: {  	s3 =	sld [smem:$0x3FFE];
	_ =	sdelay $0x1  }
0x8a: {  	s1 =	srdreg.scid  }
0x8b: {  	s0 =	sand.u32 $0x1, s1  }
0x8c: {  	s17 =	sshll.u32 s0, $0xA;
	s2 =	sadd.s32 s3, s2  }
0x8d: {  	s2 =	sadd.s32 s2, s17  }
0x8e: {  	[smem:$0x3FC6] =	sst s2  }
0x8f: {  	_ = 	snop  }
0x90: {  	s2 =	sld [smem:$0x3FC8]  }
0x91: {  	s18 =	sld [smem:$0x3FD0];
	(tm) =	ssettm $0x1  }
0x92: {  	s4 =	sld [smem:$0x3FFB];
	_ =	sdelay $0x3  }
0x93: {  	_ =	strace s4  }
0x94: {  	s4 =	sld [smem:$0x3FFC];
	_ =	sdelay $0x3  }
0x95: {  	_ =	strace s4  }
0x96: {  	s4 =	sld [smem:$0x3FFD];
	_ =	sdelay $0x3  }
0x97: {  	_ =	strace s4  }
0x98: {  	_ =	strace $0x8FFFFFFF  }
0x99: {  	s19 =	sld [smem:$0x3FDB];
	_ =	sdelay $0x1  }
0x9a: {  	s5 =	simm.s32 $_scs_section_size  }
0x9b: {  	s6 =	simm.s32 $_size__tile_overlayer_lowered;
	s7 =	simm.s32 $_tile_overlayer_lowered  }
0x9c: {  	s22 =	simm.s32 $0x1BFF;
	s21 =	sshll.u32 s7, $0x1;
	s4 =	sadd.s32 s5, s19  }
0x9d: {  	s8 =	simm.s32 $0x0;
	s20 =	sshll.u32 s6, $0x1;
	s6 =	sadd.s32 s21, s4  }
0x9e: {  	[timem:s8], [sflag:s22] =	dma.local [hbm:s6], s20  }
0x9f: {  	_ =	swait.ge [sflag:s22], s20  }
0xa0: {  	s5 =	ssub.s32 $0x0, s20;
	[sflag:s22] =	ssyncset.done $0x0  }
0xa1: {  	[sflag:s22] =	ssyncadd.s32 s5;
	_ =	sdelay $0x1  }
0xa2: {  	s23 =	simm.s32 $0x1B8B  }
0xa3: {  	_ =	swait.ge [sflag:s23], $0x1  }
0xa4: {  	[sflag:s23] =	ssyncset.done $0x0  }
0xa5: {  	s25 =	simm.s32 $0x1B8E;
	s24 =	sld [smem:$0x3FFE];
	[sflag:s23] =	ssyncadd.s32 $0xFFFFFFFF  }
0xa6: {  	s26 =	simm.s32 $execute0_lowered;
	[smem:$0x3FD2] =	sst s25  }
0xa7: {  	s6 =	sshll.u32 s26, $0x1;
	_ =	strace $0x80000046;
	[dreg:$0x1] =	wrdreg $0xFFFFFFFF  }
0xa8: {  	s28 =	simm.s32 $_size_execute0_lowered;
	s4 =	sadd.s32 s4, s6;
	[dreg:$0x0] =	wrdreg $0x0  }
0xa9: {  	s6 =	sshll.u32 s28, $0x1;
	[dreg:$0x2] =	wrdreg s4  }
0xaa: {  	[dreg:$0x3] =	wrdreg s6  }
0xab: {  	[dreg:$0x4] =	wrdreg $0xC0  }
0xac: {  	_ =	task [dreg:s8], $0x5FFFF  }
0xad: {  	[dreg:$0x1] =	wrdreg $0xFFFFFFFF  }
0xae: {  	[dreg:$0x0] =	wrdreg $0x60  }
0xaf: {  	[dreg:$0x2] =	wrdreg s2  }
0xb0: {  	[dreg:$0x3] =	wrdreg s24  }
0xb1: {  	[dreg:$0x4] =	wrdreg s18  }
0xb2: {  	[dreg:$0x5] =	wrdreg $0x9  }
0xb3: {  	_ =	task.clear_ibuf [dreg:s8], $0x6FFFF;
	_ =	strace $0x90000046  }
0xb4: {  	s29 =	simm.s32 $0x9;
	_ =	strace $0x80000048  }
0xb5: {  	_ =	swait.ge [sflag:s29], $0x1  }
0xb6: {  	[sflag:s29] =	ssyncadd.s32 $0xFFFFFFFF  }
0xb7: {  	_ =	strace $0x90000048  }
0xb8: {  	_ =	sfence  }
0xb9: {  	s30 =	sld [smem:$0x0];
	_ =	sdelay $0x2  }
0xba: {  	s31 =	sshll.u32 s1, $0xD;
	s1 =	sshrl.u32 s1, $0x2  }
0xbb: {  	s3 =	sand.u32 $0x4000, s31;
	s1 =	sadd.s32 s1, s30  }
0xbc: {  	s0 =	sor.u32 s3, s0;
	s1 =	sshll.u32 s1, $0x11  }
0xbd: {  	s0 =	sor.u32 s1, s0  }
0xbe: {  	s0 =	sadd.s32 $0x8F2B, s0  }
0xbf: {  	[sflag:s0] =	ssyncadd.remote.s32 $0x1  }
0xc0: {  	_ =	sfence.sel $0xFFFF  }
0xc1: {  	[dreg:$0x0] =	wrdreg $0xFFFFFFFF;
	(pc) =	sbr.abs _section_cstart, $3  }
0xc2: {  	[dreg:$0x1] =	wrdreg $0xFFFFFFFF  }
0xc3: {  	_ =	task.clear_ibuf [dreg:s8], $0x2FFFF;
	_ =	strace $0x9FFFFFFF  }
0xc4: {  	(tm) =	ssettm $0x7FFFFFFF  }
0xc5: {  	_ =	shalt  }
tec
execute0_lowered:
.L_overlay_start_1:
0x0: {  	(tag) =	ssettag $0x1  }
0x1: {  	s1 =	rddreg [dreg:$0x0]  }
0x2: {  	s0 =	srdreg.scid;
	s2 =	rddreg [dreg:$0x1]  }
0x3: {  	s9 =	stileid.u32;
	s4 =	rddreg [dreg:$0x2]  }
0x4: {  	s3 =	simm.s32 $0x0;
	s28 =	simm.s32 $0x1;
	s29 =	simm.s32 $0x10400  }
0x5: {  	s14 =	simm.s32 $0x13400;
	s30 =	simm.s32 $0x13C00;
	s13 =	simm.s32 $0x2  }
0x6: {  	s12 =	simm.s32 $0x9;
	s31 =	simm.s32 $0xC;
	s0 =	sand.u32 $0x1, s0  }
0x7: {  	s11 =	simm.s32 $0x0;
	s5 =	sshll.u32 s9, $0xB;
	s6 =	sshll.u32 s0, $0xA  }
0x8: {  	[smem:$0x7FF] =	sst s3;
	s7 =	ssub.s32 $0x2, s0;
	s5 =	sor.u32 s6, s5  }
0x9: {  	_ =	strace $0x80000047;
	s15 =	sshrl.u32 s7, $0x1;
	s16 =	sshll.u32 s5, $0x7  }
0xa: {  	s6 =	sshrl.u32 s5, $0x3;
	s7 =	ssub.s32 s7, s15;
	s10 =	sadd.s32 s4, s16  }
0xb: {  	s2 =	sadd.s32 s6, s2;
	s26 =	smax.u32 s7, $0x1;
	[dreg:$0x6] =	wrdreg s10  }
0xc: {  	s8 =	sadd.s32 $0x300, s1;
	s2 =	sadd.s32 $0x400, s2;
	[dreg:$0x10] =	wrdreg s26  }
0xd: {  	s23 =	sshll.u32 s9, $0x12;
	s17 =	sadd.s32 $0x1C000, s10;
	[dreg:$0x5] =	wrdreg s2  }
0xe: {  	s9 =	simm.s32 $0x7;
	s18 =	sadd.s32 $0x1C800, s10;
	[dreg:$0x8] =	wrdreg s17  }
0xf: {  	s0 =	sshll.u32 s0, $0x11;
	s19 =	sadd.s32 $0x1D000, s10;
	[dreg:$0x9] =	wrdreg s18  }
0x10: {  	s5 =	sadd.s32 $0x100, s1;
	s20 =	sadd.s32 $0x1D800, s10;
	[dreg:$0xa] =	wrdreg s19  }
0x11: {  	s15 =	simm.s32 $0x10C00;
	s21 =	sadd.s32 $0x1E000, s10;
	[dreg:$0xb] =	wrdreg s20  }
0x12: {  	s6 =	sadd.s32 $0x200, s1;
	s22 =	sadd.s32 $0x1E800, s10;
	[dreg:$0xc] =	wrdreg s21  }
0x13: {  	s7 =	simm.s32 $0xC400;
	s24 =	sadd.s32 $0x1F000, s10;
	[dreg:$0xd] =	wrdreg s22  }
0x14: {  	s16 =	simm.s32 $0x11C00;
	s25 =	sadd.s32 $0x1F800, s10;
	[dreg:$0xe] =	wrdreg s24  }
0x15: {  	s26 =	simm.s32 $0x14400;
	s2 =	sadd.s32 $0x800, s10;
	[dreg:$0xf] =	wrdreg s25  }
0x16: {  	s25 =	simm.s32 $0x8400;
	s17 =	simm.s32 $0x12C00;
	s18 =	simm.s32 $0x3  }
0x17: {  	s10 =	simm.s32 $0x4;
	s19 =	simm.s32 $0x8;
	s21 =	simm.s32 $0x5  }
0x18: {  	v2 =	vlaneseq.u32;
	s22 =	simm.s32 $0x6;
	[dreg:$0x7] =	wrdreg s2;
	s2 =	sadd.s32 s23, s4  }
0x19: {  	vm0 =	vmmov $0xffff;
	v1 =	vshrl.u32 v2, $0x3;
	s24 =	simm.s32 $0xB;
	s4 =	simm.s32 $0x12400;
	s0 =	sadd.s32 s0, s2  }
0x1a: {  	v0 =	vand.u32 $0x7, v2;
	v2 =	vor.u32 $0x8, v2;
	v1 =	vmul.u32 $0x8, v1;
	s23 =	simm.s32 $0xA;
	[dreg:$0x4] =	wrdreg s0;
	s0 =	simm.s32 $0x11400  }
.LBB2_1:
0x1b: {  	[dreg:$0x11] =	wrdreg s11  }
0x1c: {  	s2 =	rddreg [dreg:$0x5];
	s20 =	simm.s32 $0xD  }
0x1d: {  	[tilespmem:s3], [sflag:$0xD] =	stream.linear.gather [hbm4b:s2+s3], $0x400, $0x38;
	[tilespmem:$0x18400] =	vst v63  }
0x1e: {  	_ =	swait.ge [sflag:s20], $0x400  }
0x1f: {  	[sflag:s20] =	ssyncset.done $0x0  }
0x20: {  	[sflag:s20] =	ssyncadd.s32 $0xFFFFFC00  }
0x21: {  	v3 =	vld [tilespmem:$0x0];
	_ =	sdelay $0x4  }
0x22: {  	v4 =	vshll.u32 v3, $0x3  }
0x23: {  	v3 =	vand.u32 $0x7, v3;
	v4 =	vand.u32 $0xFFFFFFC0, v4  }
0x24: {  	v3 =	vor.u32 v3, v4  }
0x25: {  	v4 =	vperm.xlane v3, v0;
	_ =	sdelay $0x1  }
0x26: {  	v4 =	vadd.s32 v1, v4;
	_ =	sdelay $0x3  }
0x27: {  	s20 =	simm.s32 $0x400  }
0x28: {  	[tilespmem:s20], [sflag:$0x1] =	stream.indirect_vreg.gather [hbm4b:s1+s3], $0x80, v4, vm0, $0xb8;
	[tilespmem:$0x18400] =	vst v63  }
0x29: {  	s11 =	simm.s32 $0xC00;
	v3 =	vperm.xlane v3, v2  }
0x2a: {  	[tilespmem:s11], [sflag:$0x1] =	stream.indirect_vreg.gather [hbm4b:s5+s3], $0x80, v4, vm0, $0xb8;
	[tilespmem:$0x18400] =	vst v63  }
0x2b: {  	v3 =	vadd.s32 v1, v3;
	s11 =	simm.s32 $0x1400  }
0x2c: {  	[tilespmem:s11], [sflag:$0x1] =	stream.indirect_vreg.gather [hbm4b:s6+s3], $0x80, v4, vm0, $0xb8;
	[tilespmem:$0x18400] =	vst v63  }
0x2d: {  	s11 =	simm.s32 $0x1C00  }
0x2e: {  	[tilespmem:s11], [sflag:$0x1] =	stream.indirect_vreg.gather [hbm4b:s8+s3], $0x80, v4, vm0, $0xb8;
	[tilespmem:$0x18400] =	vst v63  }
0x2f: {  	s11 =	simm.s32 $0x2400  }
0x30: {  	[tilespmem:s11], [sflag:$0x1] =	stream.indirect_vreg.gather [hbm4b:s1+s3], $0x80, v3, vm0, $0xb8;
	[tilespmem:$0x18400] =	vst v63  }
0x31: {  	s11 =	simm.s32 $0x2C00  }
0x32: {  	[tilespmem:s11], [sflag:$0x1] =	stream.indirect_vreg.gather [hbm4b:s5+s3], $0x80, v3, vm0, $0xb8;
	[tilespmem:$0x18400] =	vst v63  }
0x33: {  	s11 =	simm.s32 $0x3400  }
0x34: {  	[tilespmem:s11], [sflag:$0x1] =	stream.indirect_vreg.gather [hbm4b:s6+s3], $0x80, v3, vm0, $0xb8;
	[tilespmem:$0x18400] =	vst v63  }
0x35: {  	s11 =	simm.s32 $0x3C00  }
0x36: {  	[tilespmem:s11], [sflag:$0x1] =	stream.indirect_vreg.gather [hbm4b:s8+s3], $0x80, v3, vm0, $0xb8;
	[tilespmem:$0x18400] =	vst v63  }
0x37: {  	v3 =	vld [tilespmem:$0x10];
	_ =	sdelay $0x4  }
0x38: {  	v59 =	vshll.u32 v3, $0x3  }
0x39: {  	v3 =	vand.u32 $0x7, v3;
	v4 =	vand.u32 $0xFFFFFFC0, v59  }
0x3a: {  	v3 =	vor.u32 v3, v4  }
0x3b: {  	v4 =	vperm.xlane v3, v0;
	_ =	sdelay $0x1  }
0x3c: {  	v4 =	vadd.s32 v1, v4;
	_ =	sdelay $0x3  }
0x3d: {  	s11 =	simm.s32 $0x4400  }
0x3e: {  	[tilespmem:s11], [sflag:$0x2] =	stream.indirect_vreg.gather [hbm4b:s1+s3], $0x80, v4, vm0, $0xb8;
	[tilespmem:$0x18400] =	vst v63  }
0x3f: {  	s2 =	simm.s32 $0x4C00;
	v3 =	vperm.xlane v3, v2  }
0x40: {  	[tilespmem:s2], [sflag:$0x2] =	stream.indirect_vreg.gather [hbm4b:s5+s3], $0x80, v4, vm0, $0xb8;
	[tilespmem:$0x18400] =	vst v63  }
0x41: {  	v3 =	vadd.s32 v1, v3;
	s2 =	simm.s32 $0x5400  }
0x42: {  	[tilespmem:s2], [sflag:$0x2] =	stream.indirect_vreg.gather [hbm4b:s6+s3], $0x80, v4, vm0, $0xb8;
	[tilespmem:$0x18400] =	vst v63  }
0x43: {  	s2 =	simm.s32 $0x5C00  }
0x44: {  	[tilespmem:s2], [sflag:$0x2] =	stream.indirect_vreg.gather [hbm4b:s8+s3], $0x80, v4, vm0, $0xb8;
	[tilespmem:$0x18400] =	vst v63  }
0x45: {  	s2 =	simm.s32 $0x6400  }
0x46: {  	[tilespmem:s2], [sflag:$0x2] =	stream.indirect_vreg.gather [hbm4b:s1+s3], $0x80, v3, vm0, $0xb8;
	[tilespmem:$0x18400] =	vst v63  }
0x47: {  	s2 =	simm.s32 $0x6C00  }
0x48: {  	[tilespmem:s2], [sflag:$0x2] =	stream.indirect_vreg.gather [hbm4b:s5+s3], $0x80, v3, vm0, $0xb8;
	[tilespmem:$0x18400] =	vst v63  }
0x49: {  	s2 =	simm.s32 $0x7400  }
0x4a: {  	[tilespmem:s2], [sflag:$0x2] =	stream.indirect_vreg.gather [hbm4b:s6+s3], $0x80, v3, vm0, $0xb8;
	[tilespmem:$0x18400] =	vst v63  }
0x4b: {  	s2 =	simm.s32 $0x7C00  }
0x4c: {  	[tilespmem:s2], [sflag:$0x2] =	stream.indirect_vreg.gather [hbm4b:s8+s3], $0x80, v3, vm0, $0xb8;
	[tilespmem:$0x18400] =	vst v63  }
0x4d: {  	v3 =	vld [tilespmem:$0x20];
	_ =	sdelay $0x4  }
0x4e: {  	v60 =	vshll.u32 v3, $0x3  }
0x4f: {  	v3 =	vand.u32 $0x7, v3;
	v4 =	vand.u32 $0xFFFFFFC0, v60  }
0x50: {  	v3 =	vor.u32 v3, v4  }
0x51: {  	v4 =	vperm.xlane v3, v0;
	_ =	sdelay $0x1  }
0x52: {  	v4 =	vadd.s32 v1, v4;
	_ =	sdelay $0x4  }
0x53: {  	[tilespmem:s25], [sflag:$0x3] =	stream.indirect_vreg.gather [hbm4b:s1+s3], $0x80, v4, vm0, $0xb8;
	[tilespmem:$0x18400] =	vst v63  }
0x54: {  	v3 =	vperm.xlane v3, v2;
	s25 =	simm.s32 $0x8C00  }
0x55: {  	[tilespmem:s25], [sflag:$0x3] =	stream.indirect_vreg.gather [hbm4b:s5+s3], $0x80, v4, vm0, $0xb8;
	[tilespmem:$0x18400] =	vst v63  }
0x56: {  	v3 =	vadd.s32 v1, v3;
	s25 =	simm.s32 $0x9400  }
0x57: {  	[tilespmem:s25], [sflag:$0x3] =	stream.indirect_vreg.gather [hbm4b:s6+s3], $0x80, v4, vm0, $0xb8;
	[tilespmem:$0x18400] =	vst v63  }
0x58: {  	s25 =	simm.s32 $0x9C00  }
0x59: {  	[tilespmem:s25], [sflag:$0x3] =	stream.indirect_vreg.gather [hbm4b:s8+s3], $0x80, v4, vm0, $0xb8;
	[tilespmem:$0x18400] =	vst v63  }
0x5a: {  	s25 =	simm.s32 $0xA400  }
0x5b: {  	[tilespmem:s25], [sflag:$0x3] =	stream.indirect_vreg.gather [hbm4b:s1+s3], $0x80, v3, vm0, $0xb8;
	[tilespmem:$0x18400] =	vst v63  }
0x5c: {  	s25 =	simm.s32 $0xAC00  }
0x5d: {  	[tilespmem:s25], [sflag:$0x3] =	stream.indirect_vreg.gather [hbm4b:s5+s3], $0x80, v3, vm0, $0xb8;
	[tilespmem:$0x18400] =	vst v63  }
0x5e: {  	s25 =	simm.s32 $0xB400  }
0x5f: {  	[tilespmem:s25], [sflag:$0x3] =	stream.indirect_vreg.gather [hbm4b:s6+s3], $0x80, v3, vm0, $0xb8;
	[tilespmem:$0x18400] =	vst v63  }
0x60: {  	s25 =	simm.s32 $0xBC00  }
0x61: {  	[tilespmem:s25], [sflag:$0x3] =	stream.indirect_vreg.gather [hbm4b:s8+s3], $0x80, v3, vm0, $0xb8;
	[tilespmem:$0x18400] =	vst v63  }
0x62: {  	v3 =	vld [tilespmem:$0x30];
	_ =	sdelay $0x4  }
0x63: {  	v61 =	vshll.u32 v3, $0x3  }
0x64: {  	v3 =	vand.u32 $0x7, v3;
	v4 =	vand.u32 $0xFFFFFFC0, v61  }
0x65: {  	v3 =	vor.u32 v3, v4  }
0x66: {  	v4 =	vperm.xlane v3, v0;
	_ =	sdelay $0x1  }
0x67: {  	v4 =	vadd.s32 v1, v4;
	_ =	sdelay $0x4  }
0x68: {  	[tilespmem:s7], [sflag:$0x4] =	stream.indirect_vreg.gather [hbm4b:s1+s3], $0x80, v4, vm0, $0xb8;
	[tilespmem:$0x18400] =	vst v63  }
0x69: {  	s25 =	simm.s32 $0xCC00;
	v3 =	vperm.xlane v3, v2  }
0x6a: {  	[tilespmem:s25], [sflag:$0x4] =	stream.indirect_vreg.gather [hbm4b:s5+s3], $0x80, v4, vm0, $0xb8;
	[tilespmem:$0x18400] =	vst v63  }
0x6b: {  	v3 =	vadd.s32 v1, v3;
	s7 =	simm.s32 $0xD400  }
0x6c: {  	[tilespmem:s7], [sflag:$0x4] =	stream.indirect_vreg.gather [hbm4b:s6+s3], $0x80, v4, vm0, $0xb8;
	[tilespmem:$0x18400] =	vst v63  }
0x6d: {  	s25 =	simm.s32 $0xDC00  }
0x6e: {  	[tilespmem:s25], [sflag:$0x4] =	stream.indirect_vreg.gather [hbm4b:s8+s3], $0x80, v4, vm0, $0xb8;
	[tilespmem:$0x18400] =	vst v63  }
0x6f: {  	s7 =	simm.s32 $0xE400  }
0x70: {  	[tilespmem:s7], [sflag:$0x4] =	stream.indirect_vreg.gather [hbm4b:s1+s3], $0x80, v3, vm0, $0xb8;
	[tilespmem:$0x18400] =	vst v63  }
0x71: {  	s25 =	simm.s32 $0xEC00  }
0x72: {  	[tilespmem:s25], [sflag:$0x4] =	stream.indirect_vreg.gather [hbm4b:s5+s3], $0x80, v3, vm0, $0xb8;
	[tilespmem:$0x18400] =	vst v63  }
0x73: {  	s7 =	simm.s32 $0xF400  }
0x74: {  	[tilespmem:s7], [sflag:$0x4] =	stream.indirect_vreg.gather [hbm4b:s6+s3], $0x80, v3, vm0, $0xb8;
	[tilespmem:$0x18400] =	vst v63  }
0x75: {  	s25 =	simm.s32 $0xFC00  }
0x76: {  	[tilespmem:s25], [sflag:$0x4] =	stream.indirect_vreg.gather [hbm4b:s8+s3], $0x80, v3, vm0, $0xb8;
	[tilespmem:$0x18400] =	vst v63  }
0x77: {  	_ =	swait.ge [sflag:s28], $0x4000  }
0x78: {  	[sflag:s28] =	ssyncset.done $0x0  }
0x79: {  	s7 =	rddreg [dreg:$0x6];
	[sflag:s28] =	ssyncadd.s32 $0xFFFFC000  }
0x7a: {  	[hbm4b:s7+s3] =	stream.linear.scatter [tilespmem:s20], [sflag:$0x7], $0x4000, $0x38;
	[tilespmem:$0x18400] =	vst v63  }
0x7b: {  	v3 =	vld [tilespmem:$0x40];
	_ =	sdelay $0x4  }
0x7c: {  	v62 =	vshll.u32 v3, $0x3  }
0x7d: {  	v3 =	vand.u32 $0x7, v3;
	v4 =	vand.u32 $0xFFFFFFC0, v62  }
0x7e: {  	v3 =	vor.u32 v3, v4  }
0x7f: {  	v4 =	vperm.xlane v3, v0;
	_ =	sdelay $0x1  }
0x80: {  	v4 =	vadd.s32 v1, v4;
	_ =	sdelay $0x4  }
0x81: {  	[tilespmem:s29], [sflag:$0x5] =	stream.indirect_vreg.gather [hbm4b:s1+s3], $0x80, v4, vm0, $0xb8;
	[tilespmem:$0x18400] =	vst v63  }
0x82: {  	v3 =	vperm.xlane v3, v2  }
0x83: {  	[tilespmem:s15], [sflag:$0x5] =	stream.indirect_vreg.gather [hbm4b:s5+s3], $0x80, v4, vm0, $0xb8;
	[tilespmem:$0x18400] =	vst v63  }
0x84: {  	v3 =	vadd.s32 v1, v3  }
0x85: {  	[tilespmem:s0], [sflag:$0x5] =	stream.indirect_vreg.gather [hbm4b:s6+s3], $0x80, v4, vm0, $0xb8;
	[tilespmem:$0x18400] =	vst v63  }
0x86: {  	_ = 	snop  }
0x87: {  	[tilespmem:s16], [sflag:$0x5] =	stream.indirect_vreg.gather [hbm4b:s8+s3], $0x80, v4, vm0, $0xb8;
	[tilespmem:$0x18400] =	vst v63  }
0x88: {  	_ = 	snop  }
0x89: {  	[tilespmem:s4], [sflag:$0x5] =	stream.indirect_vreg.gather [hbm4b:s1+s3], $0x80, v3, vm0, $0xb8;
	[tilespmem:$0x18400] =	vst v63  }
0x8a: {  	_ = 	snop  }
0x8b: {  	[tilespmem:s17], [sflag:$0x5] =	stream.indirect_vreg.gather [hbm4b:s5+s3], $0x80, v3, vm0, $0xb8;
	[tilespmem:$0x18400] =	vst v63  }
0x8c: {  	_ = 	snop  }
0x8d: {  	[tilespmem:s14], [sflag:$0x5] =	stream.indirect_vreg.gather [hbm4b:s6+s3], $0x80, v3, vm0, $0xb8;
	[tilespmem:$0x18400] =	vst v63  }
0x8e: {  	_ = 	snop  }
0x8f: {  	[tilespmem:s30], [sflag:$0x5] =	stream.indirect_vreg.gather [hbm4b:s8+s3], $0x80, v3, vm0, $0xb8;
	[tilespmem:$0x18400] =	vst v63  }
0x90: {  	_ =	swait.ge [sflag:s13], $0x4000  }
0x91: {  	[sflag:s13] =	ssyncset.done $0x0  }
0x92: {  	s25 =	rddreg [dreg:$0x7];
	[sflag:s13] =	ssyncadd.s32 $0xFFFFC000  }
0x93: {  	[hbm4b:s25+s3] =	stream.linear.scatter [tilespmem:s11], [sflag:$0x8], $0x4000, $0x38;
	[tilespmem:$0x18400] =	vst v63  }
0x94: {  	v3 =	vld [tilespmem:$0x50];
	_ =	sdelay $0x4  }
0x95: {  	v63 =	vshll.u32 v3, $0x3  }
0x96: {  	v3 =	vand.u32 $0x7, v3;
	v4 =	vand.u32 $0xFFFFFFC0, v63  }
0x97: {  	v3 =	vor.u32 v3, v4  }
0x98: {  	v4 =	vperm.xlane v3, v0;
	_ =	sdelay $0x1  }
0x99: {  	v4 =	vadd.s32 v1, v4;
	_ =	sdelay $0x4  }
0x9a: {  	[tilespmem:s26], [sflag:$0x6] =	stream.indirect_vreg.gather [hbm4b:s1+s3], $0x80, v4, vm0, $0xb8;
	[tilespmem:$0x18400] =	vst v63  }
0x9b: {  	v3 =	vperm.xlane v3, v2;
	s26 =	simm.s32 $0x14C00  }
0x9c: {  	[tilespmem:s26], [sflag:$0x6] =	stream.indirect_vreg.gather [hbm4b:s5+s3], $0x80, v4, vm0, $0xb8;
	[tilespmem:$0x18400] =	vst v63  }
0x9d: {  	s29 =	simm.s32 $0x15400;
	v3 =	vadd.s32 v1, v3  }
0x9e: {  	[tilespmem:s29], [sflag:$0x6] =	stream.indirect_vreg.gather [hbm4b:s6+s3], $0x80, v4, vm0, $0xb8;
	[tilespmem:$0x18400] =	vst v63  }
0x9f: {  	s30 =	simm.s32 $0x15C00  }
0xa0: {  	[tilespmem:s30], [sflag:$0x6] =	stream.indirect_vreg.gather [hbm4b:s8+s3], $0x80, v4, vm0, $0xb8;
	[tilespmem:$0x18400] =	vst v63  }
0xa1: {  	s4 =	simm.s32 $0x16400  }
0xa2: {  	[tilespmem:s4], [sflag:$0x6] =	stream.indirect_vreg.gather [hbm4b:s1+s3], $0x80, v3, vm0, $0xb8;
	[tilespmem:$0x18400] =	vst v63  }
0xa3: {  	s16 =	simm.s32 $0x16C00  }
0xa4: {  	[tilespmem:s16], [sflag:$0x6] =	stream.indirect_vreg.gather [hbm4b:s5+s3], $0x80, v3, vm0, $0xb8;
	[tilespmem:$0x18400] =	vst v63  }
0xa5: {  	s17 =	simm.s32 $0x17400  }
0xa6: {  	[tilespmem:s17], [sflag:$0x6] =	stream.indirect_vreg.gather [hbm4b:s6+s3], $0x80, v3, vm0, $0xb8;
	[tilespmem:$0x18400] =	vst v63  }
0xa7: {  	s20 =	simm.s32 $0x17C00;
	s15 =	simm.s32 $0x0;
	s25 =	simm.s32 $0xB0  }
0xa8: {  	[tilespmem:s20], [sflag:$0x6] =	stream.indirect_vreg.gather [hbm4b:s8+s3], $0x80, v3, vm0, $0xb8;
	[tilespmem:$0x18400] =	vst v63  }
.LBB2_2:
0xa9: {  	_ =	swait.ge [sflag:s18], $0x4000  }
0xaa: {  	s26 =	rddreg [dreg:$0x4]  }
0xab: {  	[sflag:s18] =	ssyncset.done $0x0;
	s26 =	sadd.s32 s15, s26  }
0xac: {  	s30 =	simm.s32 $0x8400;
	[sflag:s18] =	ssyncadd.s32 $0xFFFFC000;
	s2 =	sadd.s32 $0x1000, s26  }
0xad: {  	[hbm4b:s2+s3] =	stream.linear.scatter [tilespmem:s30], [sflag:$0x9], $0x4000, $0x38;
	[tilespmem:$0x18400] =	vst v63  }
0xae: {  	_ =	swait.ge [sflag:s9], $0x4000  }
0xaf: {  	[sflag:s9] =	ssyncset.done $0x0  }
0xb0: {  	[sflag:s9] =	ssyncadd.s32 $0xFFFFC000  }
0xb1: {  	v3 =	vld [tilespmem:s25+$0xFFFFFFB0];
	_ =	sdelay $0x4  }
0xb2: {  	v4 =	vshll.u32 v3, $0x3  }
0xb3: {  	v3 =	vand.u32 $0x7, v3;
	v4 =	vand.u32 $0xFFFFFFC0, v4  }
0xb4: {  	v3 =	vor.u32 v3, v4  }
0xb5: {  	v4 =	vperm.xlane v3, v0;
	_ =	sdelay $0x1  }
0xb6: {  	v4 =	vadd.s32 v1, v4;
	_ =	sdelay $0x3  }
0xb7: {  	s29 =	simm.s32 $0x400  }
0xb8: {  	[tilespmem:s29], [sflag:$0x1] =	stream.indirect_vreg.gather [hbm4b:s1+s3], $0x80, v4, vm0, $0xb8;
	[tilespmem:$0x18400] =	vst v63  }
0xb9: {  	s7 =	simm.s32 $0xC00;
	v3 =	vperm.xlane v3, v2  }
0xba: {  	[tilespmem:s7], [sflag:$0x1] =	stream.indirect_vreg.gather [hbm4b:s5+s3], $0x80, v4, vm0, $0xb8;
	[tilespmem:$0x18400] =	vst v63  }
0xbb: {  	s11 =	simm.s32 $0x1400;
	v3 =	vadd.s32 v1, v3  }
0xbc: {  	[tilespmem:s11], [sflag:$0x1] =	stream.indirect_vreg.gather [hbm4b:s6+s3], $0x80, v4, vm0, $0xb8;
	[tilespmem:$0x18400] =	vst v63  }
0xbd: {  	s14 =	simm.s32 $0x1C00  }
0xbe: {  	[tilespmem:s14], [sflag:$0x1] =	stream.indirect_vreg.gather [hbm4b:s8+s3], $0x80, v4, vm0, $0xb8;
	[tilespmem:$0x18400] =	vst v63  }
0xbf: {  	s0 =	simm.s32 $0x2400  }
0xc0: {  	[tilespmem:s0], [sflag:$0x1] =	stream.indirect_vreg.gather [hbm4b:s1+s3], $0x80, v3, vm0, $0xb8;
	[tilespmem:$0x18400] =	vst v63  }
0xc1: {  	s7 =	simm.s32 $0x2C00  }
0xc2: {  	[tilespmem:s7], [sflag:$0x1] =	stream.indirect_vreg.gather [hbm4b:s5+s3], $0x80, v3, vm0, $0xb8;
	[tilespmem:$0x18400] =	vst v63  }
0xc3: {  	s11 =	simm.s32 $0x3400  }
0xc4: {  	[tilespmem:s11], [sflag:$0x1] =	stream.indirect_vreg.gather [hbm4b:s6+s3], $0x80, v3, vm0, $0xb8;
	[tilespmem:$0x18400] =	vst v63  }
0xc5: {  	s14 =	simm.s32 $0x3C00  }
0xc6: {  	[tilespmem:s14], [sflag:$0x1] =	stream.indirect_vreg.gather [hbm4b:s8+s3], $0x80, v3, vm0, $0xb8;
	[tilespmem:$0x18400] =	vst v63  }
0xc7: {  	_ =	swait.ge [sflag:s10], $0x4000  }
0xc8: {  	[sflag:s10] =	ssyncset.done $0x0  }
0xc9: {  	s0 =	sadd.s32 $0x1800, s26;
	s14 =	simm.s32 $0xC400;
	[sflag:s10] =	ssyncadd.s32 $0xFFFFC000  }
0xca: {  	[hbm4b:s0+s3] =	stream.linear.scatter [tilespmem:s14], [sflag:$0xA], $0x4000, $0x38;
	[tilespmem:$0x18400] =	vst v63  }
0xcb: {  	_ =	swait.ge [sflag:s19], $0x4000  }
0xcc: {  	[sflag:s19] =	ssyncset.done $0x0  }
0xcd: {  	[sflag:s19] =	ssyncadd.s32 $0xFFFFC000  }
0xce: {  	v3 =	vld [tilespmem:s25+$0xFFFFFFC0];
	_ =	sdelay $0x4  }
0xcf: {  	v59 =	vshll.u32 v3, $0x3  }
0xd0: {  	v3 =	vand.u32 $0x7, v3;
	v4 =	vand.u32 $0xFFFFFFC0, v59  }
0xd1: {  	v3 =	vor.u32 v3, v4  }
0xd2: {  	v4 =	vperm.xlane v3, v0;
	_ =	sdelay $0x1  }
0xd3: {  	v4 =	vadd.s32 v1, v4;
	_ =	sdelay $0x3  }
0xd4: {  	s11 =	simm.s32 $0x4400  }
0xd5: {  	[tilespmem:s11], [sflag:$0x2] =	stream.indirect_vreg.gather [hbm4b:s1+s3], $0x80, v4, vm0, $0xb8;
	[tilespmem:$0x18400] =	vst v63  }
0xd6: {  	s7 =	simm.s32 $0x4C00;
	v3 =	vperm.xlane v3, v2  }
0xd7: {  	[tilespmem:s7], [sflag:$0x2] =	stream.indirect_vreg.gather [hbm4b:s5+s3], $0x80, v4, vm0, $0xb8;
	[tilespmem:$0x18400] =	vst v63  }
0xd8: {  	s0 =	simm.s32 $0x5400;
	v3 =	vadd.s32 v1, v3  }
0xd9: {  	[tilespmem:s0], [sflag:$0x2] =	stream.indirect_vreg.gather [hbm4b:s6+s3], $0x80, v4, vm0, $0xb8;
	[tilespmem:$0x18400] =	vst v63  }
0xda: {  	s7 =	simm.s32 $0x5C00  }
0xdb: {  	[tilespmem:s7], [sflag:$0x2] =	stream.indirect_vreg.gather [hbm4b:s8+s3], $0x80, v4, vm0, $0xb8;
	[tilespmem:$0x18400] =	vst v63  }
0xdc: {  	s0 =	simm.s32 $0x6400  }
0xdd: {  	[tilespmem:s0], [sflag:$0x2] =	stream.indirect_vreg.gather [hbm4b:s1+s3], $0x80, v3, vm0, $0xb8;
	[tilespmem:$0x18400] =	vst v63  }
0xde: {  	s7 =	simm.s32 $0x6C00  }
0xdf: {  	[tilespmem:s7], [sflag:$0x2] =	stream.indirect_vreg.gather [hbm4b:s5+s3], $0x80, v3, vm0, $0xb8;
	[tilespmem:$0x18400] =	vst v63  }
0xe0: {  	s0 =	simm.s32 $0x7400  }
0xe1: {  	[tilespmem:s0], [sflag:$0x2] =	stream.indirect_vreg.gather [hbm4b:s6+s3], $0x80, v3, vm0, $0xb8;
	[tilespmem:$0x18400] =	vst v63  }
0xe2: {  	s7 =	simm.s32 $0x7C00  }
0xe3: {  	[tilespmem:s7], [sflag:$0x2] =	stream.indirect_vreg.gather [hbm4b:s8+s3], $0x80, v3, vm0, $0xb8;
	[tilespmem:$0x18400] =	vst v63  }
0xe4: {  	_ =	swait.ge [sflag:s21], $0x4000  }
0xe5: {  	[sflag:s21] =	ssyncset.done $0x0  }
0xe6: {  	s0 =	sadd.s32 $0x2000, s26;
	s7 =	simm.s32 $0x10400;
	[sflag:s21] =	ssyncadd.s32 $0xFFFFC000  }
0xe7: {  	[hbm4b:s0+s3] =	stream.linear.scatter [tilespmem:s7], [sflag:$0xB], $0x4000, $0x38;
	[tilespmem:$0x18400] =	vst v63  }
0xe8: {  	_ =	swait.ge [sflag:s12], $0x4000  }
0xe9: {  	[sflag:s12] =	ssyncset.done $0x0  }
0xea: {  	[sflag:s12] =	ssyncadd.s32 $0xFFFFC000  }
0xeb: {  	v3 =	vld [tilespmem:s25+$0xFFFFFFD0];
	_ =	sdelay $0x4  }
0xec: {  	v60 =	vshll.u32 v3, $0x3  }
0xed: {  	v3 =	vand.u32 $0x7, v3;
	v4 =	vand.u32 $0xFFFFFFC0, v60  }
0xee: {  	v3 =	vor.u32 v3, v4  }
0xef: {  	v4 =	vperm.xlane v3, v0;
	_ =	sdelay $0x1  }
0xf0: {  	v4 =	vadd.s32 v1, v4;
	_ =	sdelay $0x4  }
0xf1: {  	[tilespmem:s30], [sflag:$0x3] =	stream.indirect_vreg.gather [hbm4b:s1+s3], $0x80, v4, vm0, $0xb8;
	[tilespmem:$0x18400] =	vst v63  }
0xf2: {  	s0 =	simm.s32 $0x8C00;
	v3 =	vperm.xlane v3, v2  }
0xf3: {  	[tilespmem:s0], [sflag:$0x3] =	stream.indirect_vreg.gather [hbm4b:s5+s3], $0x80, v4, vm0, $0xb8;
	[tilespmem:$0x18400] =	vst v63  }
0xf4: {  	v3 =	vadd.s32 v1, v3;
	s0 =	simm.s32 $0x9400  }
0xf5: {  	[tilespmem:s0], [sflag:$0x3] =	stream.indirect_vreg.gather [hbm4b:s6+s3], $0x80, v4, vm0, $0xb8;
	[tilespmem:$0x18400] =	vst v63  }
0xf6: {  	s0 =	simm.s32 $0x9C00  }
0xf7: {  	[tilespmem:s0], [sflag:$0x3] =	stream.indirect_vreg.gather [hbm4b:s8+s3], $0x80, v4, vm0, $0xb8;
	[tilespmem:$0x18400] =	vst v63  }
0xf8: {  	s0 =	simm.s32 $0xA400  }
0xf9: {  	[tilespmem:s0], [sflag:$0x3] =	stream.indirect_vreg.gather [hbm4b:s1+s3], $0x80, v3, vm0, $0xb8;
	[tilespmem:$0x18400] =	vst v63  }
0xfa: {  	s0 =	simm.s32 $0xAC00  }
0xfb: {  	[tilespmem:s0], [sflag:$0x3] =	stream.indirect_vreg.gather [hbm4b:s5+s3], $0x80, v3, vm0, $0xb8;
	[tilespmem:$0x18400] =	vst v63  }
0xfc: {  	s0 =	simm.s32 $0xB400  }
0xfd: {  	[tilespmem:s0], [sflag:$0x3] =	stream.indirect_vreg.gather [hbm4b:s6+s3], $0x80, v3, vm0, $0xb8;
	[tilespmem:$0x18400] =	vst v63  }
0xfe: {  	s0 =	simm.s32 $0xBC00  }
0xff: {  	[tilespmem:s0], [sflag:$0x3] =	stream.indirect_vreg.gather [hbm4b:s8+s3], $0x80, v3, vm0, $0xb8;
	[tilespmem:$0x18400] =	vst v63  }
0x100: {  	_ =	swait.ge [sflag:s22], $0x4000  }
0x101: {  	[sflag:s22] =	ssyncset.done $0x0  }
0x102: {  	s2 =	sadd.s32 $0x2800, s26;
	s0 =	simm.s32 $0x14400;
	[sflag:s22] =	ssyncadd.s32 $0xFFFFC000  }
0x103: {  	[hbm4b:s2+s3] =	stream.linear.scatter [tilespmem:s0], [sflag:$0xC], $0x4000, $0x38;
	[tilespmem:$0x18400] =	vst v63  }
0x104: {  	_ =	swait.ge [sflag:s23], $0x4000  }
0x105: {  	[sflag:s23] =	ssyncset.done $0x0  }
0x106: {  	[sflag:s23] =	ssyncadd.s32 $0xFFFFC000  }
0x107: {  	v3 =	vld [tilespmem:s25+$0xFFFFFFE0];
	_ =	sdelay $0x4  }
0x108: {  	v61 =	vshll.u32 v3, $0x3  }
0x109: {  	v3 =	vand.u32 $0x7, v3;
	v4 =	vand.u32 $0xFFFFFFC0, v61  }
0x10a: {  	v3 =	vor.u32 v3, v4  }
0x10b: {  	v4 =	vperm.xlane v3, v0;
	_ =	sdelay $0x1  }
0x10c: {  	v4 =	vadd.s32 v1, v4;
	_ =	sdelay $0x4  }
0x10d: {  	[tilespmem:s14], [sflag:$0x4] =	stream.indirect_vreg.gather [hbm4b:s1+s3], $0x80, v4, vm0, $0xb8;
	[tilespmem:$0x18400] =	vst v63  }
0x10e: {  	s2 =	simm.s32 $0xCC00;
	v3 =	vperm.xlane v3, v2  }
0x10f: {  	[tilespmem:s2], [sflag:$0x4] =	stream.indirect_vreg.gather [hbm4b:s5+s3], $0x80, v4, vm0, $0xb8;
	[tilespmem:$0x18400] =	vst v63  }
0x110: {  	v3 =	vadd.s32 v1, v3;
	s2 =	simm.s32 $0xD400  }
0x111: {  	[tilespmem:s2], [sflag:$0x4] =	stream.indirect_vreg.gather [hbm4b:s6+s3], $0x80, v4, vm0, $0xb8;
	[tilespmem:$0x18400] =	vst v63  }
0x112: {  	s2 =	simm.s32 $0xDC00  }
0x113: {  	[tilespmem:s2], [sflag:$0x4] =	stream.indirect_vreg.gather [hbm4b:s8+s3], $0x80, v4, vm0, $0xb8;
	[tilespmem:$0x18400] =	vst v63  }
0x114: {  	s2 =	simm.s32 $0xE400  }
0x115: {  	[tilespmem:s2], [sflag:$0x4] =	stream.indirect_vreg.gather [hbm4b:s1+s3], $0x80, v3, vm0, $0xb8;
	[tilespmem:$0x18400] =	vst v63  }
0x116: {  	s2 =	simm.s32 $0xEC00  }
0x117: {  	[tilespmem:s2], [sflag:$0x4] =	stream.indirect_vreg.gather [hbm4b:s5+s3], $0x80, v3, vm0, $0xb8;
	[tilespmem:$0x18400] =	vst v63  }
0x118: {  	s2 =	simm.s32 $0xF400  }
0x119: {  	[tilespmem:s2], [sflag:$0x4] =	stream.indirect_vreg.gather [hbm4b:s6+s3], $0x80, v3, vm0, $0xb8;
	[tilespmem:$0x18400] =	vst v63  }
0x11a: {  	s2 =	simm.s32 $0xFC00  }
0x11b: {  	[tilespmem:s2], [sflag:$0x4] =	stream.indirect_vreg.gather [hbm4b:s8+s3], $0x80, v3, vm0, $0xb8;
	[tilespmem:$0x18400] =	vst v63  }
0x11c: {  	_ =	swait.ge [sflag:s28], $0x4000  }
0x11d: {  	[sflag:s28] =	ssyncset.done $0x0  }
0x11e: {  	s2 =	sadd.s32 $0x3000, s26;
	[sflag:s28] =	ssyncadd.s32 $0xFFFFC000  }
0x11f: {  	[hbm4b:s2+s3] =	stream.linear.scatter [tilespmem:s29], [sflag:$0x7], $0x4000, $0x38;
	[tilespmem:$0x18400] =	vst v63  }
0x120: {  	_ =	swait.ge [sflag:s24], $0x4000  }
0x121: {  	[sflag:s24] =	ssyncset.done $0x0  }
0x122: {  	[sflag:s24] =	ssyncadd.s32 $0xFFFFC000  }
0x123: {  	v3 =	vld [tilespmem:s25+$0xFFFFFFF0];
	_ =	sdelay $0x4  }
0x124: {  	v62 =	vshll.u32 v3, $0x3  }
0x125: {  	v3 =	vand.u32 $0x7, v3;
	v4 =	vand.u32 $0xFFFFFFC0, v62  }
0x126: {  	v3 =	vor.u32 v3, v4  }
0x127: {  	v4 =	vperm.xlane v3, v0;
	_ =	sdelay $0x1  }
0x128: {  	v4 =	vadd.s32 v1, v4;
	_ =	sdelay $0x4  }
0x129: {  	[tilespmem:s7], [sflag:$0x5] =	stream.indirect_vreg.gather [hbm4b:s1+s3], $0x80, v4, vm0, $0xb8;
	[tilespmem:$0x18400] =	vst v63  }
0x12a: {  	v3 =	vperm.xlane v3, v2;
	s7 =	simm.s32 $0x10C00  }
0x12b: {  	[tilespmem:s7], [sflag:$0x5] =	stream.indirect_vreg.gather [hbm4b:s5+s3], $0x80, v4, vm0, $0xb8;
	[tilespmem:$0x18400] =	vst v63  }
0x12c: {  	v3 =	vadd.s32 v1, v3;
	s7 =	simm.s32 $0x11400  }
0x12d: {  	[tilespmem:s7], [sflag:$0x5] =	stream.indirect_vreg.gather [hbm4b:s6+s3], $0x80, v4, vm0, $0xb8;
	[tilespmem:$0x18400] =	vst v63  }
0x12e: {  	s7 =	simm.s32 $0x11C00  }
0x12f: {  	[tilespmem:s7], [sflag:$0x5] =	stream.indirect_vreg.gather [hbm4b:s8+s3], $0x80, v4, vm0, $0xb8;
	[tilespmem:$0x18400] =	vst v63  }
0x130: {  	s7 =	simm.s32 $0x12400  }
0x131: {  	[tilespmem:s7], [sflag:$0x5] =	stream.indirect_vreg.gather [hbm4b:s1+s3], $0x80, v3, vm0, $0xb8;
	[tilespmem:$0x18400] =	vst v63  }
0x132: {  	s7 =	simm.s32 $0x12C00  }
0x133: {  	[tilespmem:s7], [sflag:$0x5] =	stream.indirect_vreg.gather [hbm4b:s5+s3], $0x80, v3, vm0, $0xb8;
	[tilespmem:$0x18400] =	vst v63  }
0x134: {  	s14 =	simm.s32 $0x13400  }
0x135: {  	[tilespmem:s14], [sflag:$0x5] =	stream.indirect_vreg.gather [hbm4b:s6+s3], $0x80, v3, vm0, $0xb8;
	[tilespmem:$0x18400] =	vst v63  }
0x136: {  	s30 =	simm.s32 $0x13C00  }
0x137: {  	[tilespmem:s30], [sflag:$0x5] =	stream.indirect_vreg.gather [hbm4b:s8+s3], $0x80, v3, vm0, $0xb8;
	[tilespmem:$0x18400] =	vst v63  }
0x138: {  	_ =	swait.ge [sflag:s13], $0x4000  }
0x139: {  	[sflag:s13] =	ssyncset.done $0x0  }
0x13a: {  	s26 =	sadd.s32 $0x3800, s26;
	[sflag:s13] =	ssyncadd.s32 $0xFFFFC000  }
0x13b: {  	[hbm4b:s26+s3] =	stream.linear.scatter [tilespmem:s11], [sflag:$0x8], $0x4000, $0x38;
	[tilespmem:$0x18400] =	vst v63  }
0x13c: {  	_ =	swait.ge [sflag:s31], $0x4000  }
0x13d: {  	[sflag:s31] =	ssyncset.done $0x0  }
0x13e: {  	[sflag:s31] =	ssyncadd.s32 $0xFFFFC000  }
0x13f: {  	v3 =	vld [tilespmem:s25+$0x0];
	_ =	sdelay $0x4  }
0x140: {  	v63 =	vshll.u32 v3, $0x3  }
0x141: {  	v3 =	vand.u32 $0x7, v3;
	v4 =	vand.u32 $0xFFFFFFC0, v63  }
0x142: {  	v3 =	vor.u32 v3, v4  }
0x143: {  	v4 =	vperm.xlane v3, v0;
	_ =	sdelay $0x1  }
0x144: {  	v4 =	vadd.s32 v1, v4;
	_ =	sdelay $0x4  }
0x145: {  	[tilespmem:s0], [sflag:$0x6] =	stream.indirect_vreg.gather [hbm4b:s1+s3], $0x80, v4, vm0, $0xb8;
	[tilespmem:$0x18400] =	vst v63  }
0x146: {  	s2 =	simm.s32 $0x14C00;
	v3 =	vperm.xlane v3, v2  }
0x147: {  	[tilespmem:s2], [sflag:$0x6] =	stream.indirect_vreg.gather [hbm4b:s5+s3], $0x80, v4, vm0, $0xb8;
	[tilespmem:$0x18400] =	vst v63  }
0x148: {  	s7 =	simm.s32 $0x15400;
	v3 =	vadd.s32 v1, v3  }
0x149: {  	[tilespmem:s7], [sflag:$0x6] =	stream.indirect_vreg.gather [hbm4b:s6+s3], $0x80, v4, vm0, $0xb8;
	[tilespmem:$0x18400] =	vst v63  }
0x14a: {  	s11 =	simm.s32 $0x15C00  }
0x14b: {  	[tilespmem:s11], [sflag:$0x6] =	stream.indirect_vreg.gather [hbm4b:s8+s3], $0x80, v4, vm0, $0xb8;
	[tilespmem:$0x18400] =	vst v63  }
0x14c: {  	_ = 	snop  }
0x14d: {  	[tilespmem:s4], [sflag:$0x6] =	stream.indirect_vreg.gather [hbm4b:s1+s3], $0x80, v3, vm0, $0xb8;
	[tilespmem:$0x18400] =	vst v63  }
0x14e: {  	p0 =	sne.s32 s15, $0x18000  }
0x14f: {  	[tilespmem:s16], [sflag:$0x6] =	stream.indirect_vreg.gather [hbm4b:s5+s3], $0x80, v3, vm0, $0xb8;
	[tilespmem:$0x18400] =	vst v63  }
.Ltmp0:
0x150: {  	_ = 	snop;
	(pc) =	sbr.rel @p0 .LBB2_2-.Ltmp0, $4  }
0x151: {  	s15 =	sadd.s32 $0x3000, s15  }
0x152: {  	[tilespmem:s17], [sflag:$0x6] =	stream.indirect_vreg.gather [hbm4b:s6+s3], $0x80, v3, vm0, $0xb8;
	[tilespmem:$0x18400] =	vst v63  }
0x153: {  	s29 =	simm.s32 $0x10400;
	s26 =	simm.s32 $0x14400;
	s25 =	sadd.s32 $0x60, s25  }
0x154: {  	[tilespmem:s20], [sflag:$0x6] =	stream.indirect_vreg.gather [hbm4b:s8+s3], $0x80, v3, vm0, $0xb8;
	[tilespmem:$0x18400] =	vst v63  }
0x155: {  	_ =	swait.ge [sflag:s18], $0x4000  }
0x156: {  	[sflag:s18] =	ssyncset.done $0x0  }
0x157: {  	s11 =	simm.s32 $0x8400;
	s2 =	rddreg [dreg:$0x8];
	[sflag:s18] =	ssyncadd.s32 $0xFFFFC000  }
0x158: {  	[hbm4b:s2+s3] =	stream.linear.scatter [tilespmem:s11], [sflag:$0x9], $0x4000, $0x38;
	[tilespmem:$0x18400] =	vst v63  }
0x159: {  	_ =	swait.ge [sflag:s9], $0x4000  }
0x15a: {  	[sflag:s9] =	ssyncset.done $0x0  }
0x15b: {  	[sflag:s9] =	ssyncadd.s32 $0xFFFFC000  }
0x15c: {  	v3 =	vld [tilespmem:$0x3C0];
	_ =	sdelay $0x4  }
0x15d: {  	v4 =	vshll.u32 v3, $0x3  }
0x15e: {  	v3 =	vand.u32 $0x7, v3;
	v4 =	vand.u32 $0xFFFFFFC0, v4  }
0x15f: {  	v3 =	vor.u32 v3, v4  }
0x160: {  	v4 =	vperm.xlane v3, v0;
	_ =	sdelay $0x1  }
0x161: {  	v4 =	vadd.s32 v1, v4;
	_ =	sdelay $0x3  }
0x162: {  	s0 =	simm.s32 $0x400  }
0x163: {  	[tilespmem:s0], [sflag:$0x1] =	stream.indirect_vreg.gather [hbm4b:s1+s3], $0x80, v4, vm0, $0xb8;
	[tilespmem:$0x18400] =	vst v63  }
0x164: {  	s7 =	simm.s32 $0xC00;
	v3 =	vperm.xlane v3, v2  }
0x165: {  	[tilespmem:s7], [sflag:$0x1] =	stream.indirect_vreg.gather [hbm4b:s5+s3], $0x80, v4, vm0, $0xb8;
	[tilespmem:$0x18400] =	vst v63  }
0x166: {  	s15 =	simm.s32 $0x1400;
	v3 =	vadd.s32 v1, v3  }
0x167: {  	[tilespmem:s15], [sflag:$0x1] =	stream.indirect_vreg.gather [hbm4b:s6+s3], $0x80, v4, vm0, $0xb8;
	[tilespmem:$0x18400] =	vst v63  }
0x168: {  	s16 =	simm.s32 $0x1C00  }
0x169: {  	[tilespmem:s16], [sflag:$0x1] =	stream.indirect_vreg.gather [hbm4b:s8+s3], $0x80, v4, vm0, $0xb8;
	[tilespmem:$0x18400] =	vst v63  }
0x16a: {  	s17 =	simm.s32 $0x2400  }
0x16b: {  	[tilespmem:s17], [sflag:$0x1] =	stream.indirect_vreg.gather [hbm4b:s1+s3], $0x80, v3, vm0, $0xb8;
	[tilespmem:$0x18400] =	vst v63  }
0x16c: {  	s20 =	simm.s32 $0x2C00  }
0x16d: {  	[tilespmem:s20], [sflag:$0x1] =	stream.indirect_vreg.gather [hbm4b:s5+s3], $0x80, v3, vm0, $0xb8;
	[tilespmem:$0x18400] =	vst v63  }
0x16e: {  	s25 =	simm.s32 $0x3400  }
0x16f: {  	[tilespmem:s25], [sflag:$0x1] =	stream.indirect_vreg.gather [hbm4b:s6+s3], $0x80, v3, vm0, $0xb8;
	[tilespmem:$0x18400] =	vst v63  }
0x170: {  	s4 =	simm.s32 $0x3C00  }
0x171: {  	[tilespmem:s4], [sflag:$0x1] =	stream.indirect_vreg.gather [hbm4b:s8+s3], $0x80, v3, vm0, $0xb8;
	[tilespmem:$0x18400] =	vst v63  }
0x172: {  	_ =	swait.ge [sflag:s10], $0x4000  }
0x173: {  	[sflag:s10] =	ssyncset.done $0x0  }
0x174: {  	s15 =	simm.s32 $0xC400;
	s7 =	rddreg [dreg:$0x9];
	[sflag:s10] =	ssyncadd.s32 $0xFFFFC000  }
0x175: {  	[hbm4b:s7+s3] =	stream.linear.scatter [tilespmem:s15], [sflag:$0xA], $0x4000, $0x38;
	[tilespmem:$0x18400] =	vst v63  }
0x176: {  	_ =	swait.ge [sflag:s19], $0x4000  }
0x177: {  	[sflag:s19] =	ssyncset.done $0x0  }
0x178: {  	[sflag:s19] =	ssyncadd.s32 $0xFFFFC000  }
0x179: {  	v3 =	vld [tilespmem:$0x3D0];
	_ =	sdelay $0x4  }
0x17a: {  	v61 =	vshll.u32 v3, $0x3  }
0x17b: {  	v3 =	vand.u32 $0x7, v3;
	v4 =	vand.u32 $0xFFFFFFC0, v61  }
0x17c: {  	v3 =	vor.u32 v3, v4  }
0x17d: {  	v4 =	vperm.xlane v3, v0;
	_ =	sdelay $0x1  }
0x17e: {  	v4 =	vadd.s32 v1, v4;
	_ =	sdelay $0x3  }
0x17f: {  	s4 =	simm.s32 $0x4400  }
0x180: {  	[tilespmem:s4], [sflag:$0x2] =	stream.indirect_vreg.gather [hbm4b:s1+s3], $0x80, v4, vm0, $0xb8;
	[tilespmem:$0x18400] =	vst v63  }
0x181: {  	s16 =	simm.s32 $0x4C00;
	v3 =	vperm.xlane v3, v2  }
0x182: {  	[tilespmem:s16], [sflag:$0x2] =	stream.indirect_vreg.gather [hbm4b:s5+s3], $0x80, v4, vm0, $0xb8;
	[tilespmem:$0x18400] =	vst v63  }
0x183: {  	s17 =	simm.s32 $0x5400;
	v3 =	vadd.s32 v1, v3  }
0x184: {  	[tilespmem:s17], [sflag:$0x2] =	stream.indirect_vreg.gather [hbm4b:s6+s3], $0x80, v4, vm0, $0xb8;
	[tilespmem:$0x18400] =	vst v63  }
0x185: {  	s20 =	simm.s32 $0x5C00  }
0x186: {  	[tilespmem:s20], [sflag:$0x2] =	stream.indirect_vreg.gather [hbm4b:s8+s3], $0x80, v4, vm0, $0xb8;
	[tilespmem:$0x18400] =	vst v63  }
0x187: {  	s25 =	simm.s32 $0x6400  }
0x188: {  	[tilespmem:s25], [sflag:$0x2] =	stream.indirect_vreg.gather [hbm4b:s1+s3], $0x80, v3, vm0, $0xb8;
	[tilespmem:$0x18400] =	vst v63  }
0x189: {  	s7 =	simm.s32 $0x6C00  }
0x18a: {  	[tilespmem:s7], [sflag:$0x2] =	stream.indirect_vreg.gather [hbm4b:s5+s3], $0x80, v3, vm0, $0xb8;
	[tilespmem:$0x18400] =	vst v63  }
0x18b: {  	s16 =	simm.s32 $0x7400  }
0x18c: {  	[tilespmem:s16], [sflag:$0x2] =	stream.indirect_vreg.gather [hbm4b:s6+s3], $0x80, v3, vm0, $0xb8;
	[tilespmem:$0x18400] =	vst v63  }
0x18d: {  	s17 =	simm.s32 $0x7C00  }
0x18e: {  	[tilespmem:s17], [sflag:$0x2] =	stream.indirect_vreg.gather [hbm4b:s8+s3], $0x80, v3, vm0, $0xb8;
	[tilespmem:$0x18400] =	vst v63  }
0x18f: {  	_ =	swait.ge [sflag:s21], $0x4000  }
0x190: {  	[sflag:s21] =	ssyncset.done $0x0  }
0x191: {  	s20 =	rddreg [dreg:$0xa];
	[sflag:s21] =	ssyncadd.s32 $0xFFFFC000  }
0x192: {  	[hbm4b:s20+s3] =	stream.linear.scatter [tilespmem:s29], [sflag:$0xB], $0x4000, $0x38;
	[tilespmem:$0x18400] =	vst v63  }
0x193: {  	_ =	swait.ge [sflag:s12], $0x4000  }
0x194: {  	[sflag:s12] =	ssyncset.done $0x0  }
0x195: {  	[sflag:s12] =	ssyncadd.s32 $0xFFFFC000  }
0x196: {  	v3 =	vld [tilespmem:$0x3E0];
	_ =	sdelay $0x4  }
0x197: {  	v62 =	vshll.u32 v3, $0x3  }
0x198: {  	v3 =	vand.u32 $0x7, v3;
	v4 =	vand.u32 $0xFFFFFFC0, v62  }
0x199: {  	v3 =	vor.u32 v3, v4  }
0x19a: {  	v4 =	vperm.xlane v3, v0;
	_ =	sdelay $0x1  }
0x19b: {  	v4 =	vadd.s32 v1, v4;
	_ =	sdelay $0x4  }
0x19c: {  	[tilespmem:s11], [sflag:$0x3] =	stream.indirect_vreg.gather [hbm4b:s1+s3], $0x80, v4, vm0, $0xb8;
	[tilespmem:$0x18400] =	vst v63  }
0x19d: {  	s25 =	simm.s32 $0x8C00;
	v3 =	vperm.xlane v3, v2  }
0x19e: {  	[tilespmem:s25], [sflag:$0x3] =	stream.indirect_vreg.gather [hbm4b:s5+s3], $0x80, v4, vm0, $0xb8;
	[tilespmem:$0x18400] =	vst v63  }
0x19f: {  	s7 =	simm.s32 $0x9400;
	v3 =	vadd.s32 v1, v3  }
0x1a0: {  	[tilespmem:s7], [sflag:$0x3] =	stream.indirect_vreg.gather [hbm4b:s6+s3], $0x80, v4, vm0, $0xb8;
	[tilespmem:$0x18400] =	vst v63  }
0x1a1: {  	s16 =	simm.s32 $0x9C00  }
0x1a2: {  	[tilespmem:s16], [sflag:$0x3] =	stream.indirect_vreg.gather [hbm4b:s8+s3], $0x80, v4, vm0, $0xb8;
	[tilespmem:$0x18400] =	vst v63  }
0x1a3: {  	s17 =	simm.s32 $0xA400  }
0x1a4: {  	[tilespmem:s17], [sflag:$0x3] =	stream.indirect_vreg.gather [hbm4b:s1+s3], $0x80, v3, vm0, $0xb8;
	[tilespmem:$0x18400] =	vst v63  }
0x1a5: {  	s20 =	simm.s32 $0xAC00  }
0x1a6: {  	[tilespmem:s20], [sflag:$0x3] =	stream.indirect_vreg.gather [hbm4b:s5+s3], $0x80, v3, vm0, $0xb8;
	[tilespmem:$0x18400] =	vst v63  }
0x1a7: {  	s25 =	simm.s32 $0xB400  }
0x1a8: {  	[tilespmem:s25], [sflag:$0x3] =	stream.indirect_vreg.gather [hbm4b:s6+s3], $0x80, v3, vm0, $0xb8;
	[tilespmem:$0x18400] =	vst v63  }
0x1a9: {  	s7 =	simm.s32 $0xBC00  }
0x1aa: {  	[tilespmem:s7], [sflag:$0x3] =	stream.indirect_vreg.gather [hbm4b:s8+s3], $0x80, v3, vm0, $0xb8;
	[tilespmem:$0x18400] =	vst v63  }
0x1ab: {  	_ =	swait.ge [sflag:s22], $0x4000  }
0x1ac: {  	[sflag:s22] =	ssyncset.done $0x0  }
0x1ad: {  	s16 =	rddreg [dreg:$0xb];
	[sflag:s22] =	ssyncadd.s32 $0xFFFFC000  }
0x1ae: {  	[hbm4b:s16+s3] =	stream.linear.scatter [tilespmem:s26], [sflag:$0xC], $0x4000, $0x38;
	[tilespmem:$0x18400] =	vst v63  }
0x1af: {  	_ =	swait.ge [sflag:s23], $0x4000  }
0x1b0: {  	[sflag:s23] =	ssyncset.done $0x0  }
0x1b1: {  	[sflag:s23] =	ssyncadd.s32 $0xFFFFC000  }
0x1b2: {  	v3 =	vld [tilespmem:$0x3F0];
	_ =	sdelay $0x4  }
0x1b3: {  	v63 =	vshll.u32 v3, $0x3  }
0x1b4: {  	v3 =	vand.u32 $0x7, v3;
	v4 =	vand.u32 $0xFFFFFFC0, v63  }
0x1b5: {  	v3 =	vor.u32 v3, v4  }
0x1b6: {  	v4 =	vperm.xlane v3, v0;
	_ =	sdelay $0x1  }
0x1b7: {  	v4 =	vadd.s32 v1, v4;
	_ =	sdelay $0x4  }
0x1b8: {  	[tilespmem:s15], [sflag:$0x4] =	stream.indirect_vreg.gather [hbm4b:s1+s3], $0x80, v4, vm0, $0xb8;
	[tilespmem:$0x18400] =	vst v63  }
0x1b9: {  	s17 =	simm.s32 $0xCC00;
	v3 =	vperm.xlane v3, v2  }
0x1ba: {  	[tilespmem:s17], [sflag:$0x4] =	stream.indirect_vreg.gather [hbm4b:s5+s3], $0x80, v4, vm0, $0xb8;
	[tilespmem:$0x18400] =	vst v63  }
0x1bb: {  	s20 =	simm.s32 $0xD400;
	v3 =	vadd.s32 v1, v3  }
0x1bc: {  	[tilespmem:s20], [sflag:$0x4] =	stream.indirect_vreg.gather [hbm4b:s6+s3], $0x80, v4, vm0, $0xb8;
	[tilespmem:$0x18400] =	vst v63  }
0x1bd: {  	s25 =	simm.s32 $0xDC00  }
0x1be: {  	[tilespmem:s25], [sflag:$0x4] =	stream.indirect_vreg.gather [hbm4b:s8+s3], $0x80, v4, vm0, $0xb8;
	[tilespmem:$0x18400] =	vst v63  }
0x1bf: {  	s7 =	simm.s32 $0xE400  }
0x1c0: {  	[tilespmem:s7], [sflag:$0x4] =	stream.indirect_vreg.gather [hbm4b:s1+s3], $0x80, v3, vm0, $0xb8;
	[tilespmem:$0x18400] =	vst v63  }
0x1c1: {  	s16 =	simm.s32 $0xEC00  }
0x1c2: {  	[tilespmem:s16], [sflag:$0x4] =	stream.indirect_vreg.gather [hbm4b:s5+s3], $0x80, v3, vm0, $0xb8;
	[tilespmem:$0x18400] =	vst v63  }
0x1c3: {  	s17 =	simm.s32 $0xF400  }
0x1c4: {  	[tilespmem:s17], [sflag:$0x4] =	stream.indirect_vreg.gather [hbm4b:s6+s3], $0x80, v3, vm0, $0xb8;
	[tilespmem:$0x18400] =	vst v63  }
0x1c5: {  	s20 =	simm.s32 $0xFC00  }
0x1c6: {  	[tilespmem:s20], [sflag:$0x4] =	stream.indirect_vreg.gather [hbm4b:s8+s3], $0x80, v3, vm0, $0xb8;
	[tilespmem:$0x18400] =	vst v63  }
0x1c7: {  	_ =	swait.ge [sflag:s28], $0x4000  }
0x1c8: {  	[sflag:s28] =	ssyncset.done $0x0  }
0x1c9: {  	s25 =	rddreg [dreg:$0xc];
	[sflag:s28] =	ssyncadd.s32 $0xFFFFC000  }
0x1ca: {  	[hbm4b:s25+s3] =	stream.linear.scatter [tilespmem:s0], [sflag:$0x7], $0x4000, $0x38;
	[tilespmem:$0x18400] =	vst v63  }
0x1cb: {  	_ =	swait.ge [sflag:s13], $0x4000  }
0x1cc: {  	[sflag:s13] =	ssyncset.done $0x0  }
0x1cd: {  	s0 =	rddreg [dreg:$0xd];
	[sflag:s13] =	ssyncadd.s32 $0xFFFFC000  }
0x1ce: {  	[hbm4b:s0+s3] =	stream.linear.scatter [tilespmem:s4], [sflag:$0x8], $0x4000, $0x38;
	[tilespmem:$0x18400] =	vst v63  }
0x1cf: {  	_ =	swait.ge [sflag:s18], $0x4000  }
0x1d0: {  	[sflag:s18] =	ssyncset.done $0x0  }
0x1d1: {  	s7 =	rddreg [dreg:$0xe];
	[sflag:s18] =	ssyncadd.s32 $0xFFFFC000  }
0x1d2: {  	[hbm4b:s7+s3] =	stream.linear.scatter [tilespmem:s11], [sflag:$0x9], $0x4000, $0x38;
	[tilespmem:$0x18400] =	vst v63  }
0x1d3: {  	_ =	swait.ge [sflag:s10], $0x4000  }
0x1d4: {  	[sflag:s10] =	ssyncset.done $0x0  }
0x1d5: {  	s16 =	rddreg [dreg:$0xf];
	[sflag:s10] =	ssyncadd.s32 $0xFFFFC000  }
0x1d6: {  	[hbm4b:s16+s3] =	stream.linear.scatter [tilespmem:s15], [sflag:$0xA], $0x4000, $0x38;
	[tilespmem:$0x18400] =	vst v63  }
0x1d7: {  	_ =	swait.ge [sflag:s24], $0x4000  }
0x1d8: {  	[sflag:s24] =	ssyncset.done $0x0  }
0x1d9: {  	[sflag:s24] =	ssyncadd.s32 $0xFFFFC000  }
0x1da: {  	_ =	swait.ge [sflag:s31], $0x4000  }
0x1db: {  	[sflag:s31] =	ssyncset.done $0x0  }
0x1dc: {  	[sflag:s31] =	ssyncadd.s32 $0xFFFFC000  }
0x1dd: {  	_ =	swait.ge [sflag:s9], $0x4000  }
0x1de: {  	[sflag:s9] =	ssyncset.done $0x0  }
0x1df: {  	[sflag:s9] =	ssyncadd.s32 $0xFFFFC000  }
0x1e0: {  	_ =	swait.ge [sflag:s19], $0x4000  }
0x1e1: {  	[sflag:s19] =	ssyncset.done $0x0  }
0x1e2: {  	[sflag:s19] =	ssyncadd.s32 $0xFFFFC000  }
0x1e3: {  	_ =	swait.ge [sflag:s12], $0x4000  }
0x1e4: {  	[sflag:s12] =	ssyncset.done $0x0  }
0x1e5: {  	[sflag:s12] =	ssyncadd.s32 $0xFFFFC000  }
0x1e6: {  	_ =	swait.ge [sflag:s23], $0x4000  }
0x1e7: {  	s17 =	rddreg [dreg:$0x11]  }
0x1e8: {  	s20 =	rddreg [dreg:$0x10];
	s11 =	sadd.s32 $0x1, s17  }
0x1e9: {  	p0 =	sne.s32 s11, s20  }
.Ltmp1:
0x1ea: {  	_ = 	snop;
	(pc) =	sbr.rel @p0 .LBB2_1-.Ltmp1, $4  }
0x1eb: {  	_ = 	snop  }
0x1ec: {  	s25 =	simm.s32 $0x8400;
	s0 =	simm.s32 $0x11400;
	s4 =	simm.s32 $0x12400  }
0x1ed: {  	s7 =	simm.s32 $0xC400;
	s15 =	simm.s32 $0x10C00;
	[sflag:s23] =	ssyncset.done $0x0  }
0x1ee: {  	s16 =	simm.s32 $0x11C00;
	[sflag:s23] =	ssyncadd.s32 $0xFFFFC000;
	s17 =	simm.s32 $0x12C00  }
0x1ef: {  	_ =	sfence.sel $0x180000  }
0x1f0: {  	[bflag:$0x0] =	sbarrier.arrive $0xFFFF  }
0x1f1: {  	_ =	strace $0x90000047  }
0x1f2: {  	s0 =	stileid.u32;
	[bflag:$0x2] =	sbarrier.arrive $0xFFFF  }
0x1f3: {  	p0 =	sne.s32 s0, $0x0;
	s0 =	rddreg [dreg:$0x3]  }
0x1f4: {  	s0 =	sadd.s32 @!p0 $0x100000, s0  }
0x1f5: {  	[sflag:s0] =	ssyncadd.tile.s32 @!p0 $0x1;
	_ =	shalt  }
.Lfunc_end2:
_tile_overlayer_lowered:
.L_overlay_start_2:
0x1f6: {  	(tag) =	ssettag $0x2  }
0x1f7: {  	s0 =	rddreg [dreg:$0x0];
	s2 =	stileid.u32  }
0x1f8: {  	s1 =	rddreg [dreg:$0x1];
	p0 =	sne.s32 s2, $0x0  }
0x1f9: {  	s3 =	rddreg [dreg:$0x2];
	[bflag:$0x3] =	sbarrier.arrive $0xFFFF;
	s2 =	simm.s32 @!p0 $0x1C0D  }
0x1fa: {  	[timem:s3], [sflag:s2] =	dma.local @!p0 [hbm:s0], s1  }
0x1fb: {  	s0 =	simm.s32 @!p0 $0xD  }
0x1fc: {  	_ =	swait.ge @!p0 [sflag:s0], s1  }
0x1fd: {  	s1 =	ssub.s32 @!p0 $0x0, s1;
	[sflag:s0] =	ssyncset.done @!p0 $0x0  }
0x1fe: {  	[sflag:s0] =	ssyncadd.s32 @!p0 s1  }
0x1ff: {  	[bflag:$0x3] =	sbarrier.arrive $0xFFFF  }
0x200: {  	_ =	shalt  }

</sc_bundles>
